<compile_context>
chip_gen: v7x
topology: tpu7x:2x2x1
jax: 0.10.2.dev20260603
libtpu: 0.0.44.dev20260713+nightly
codegen_flags: <defaults>
</compile_context>

<pallas_src>
import functools

import jax
import jax.numpy as jnp
from jax import lax
from jax.experimental import pallas as pl
from jax.experimental.pallas import tpu as pltpu
from jax.experimental.pallas import tpu_sc as plsc

B = 16384
NF = 16
NW = 32
BPW = B // NW
CHUNK = 128
NCHUNK = BPW // CHUNK


def _sc_factorization(uidx, sidx, ufac, sfac, uoff, soff, goff16):
    mesh = plsc.VectorSubcoreMesh(core_axis_name="c", subcore_axis_name="s")

    @functools.partial(
        pl.kernel,
        mesh=mesh,
        out_type=jax.ShapeDtypeStruct((B,), jnp.float32),
        compiler_params=pltpu.CompilerParams(
            needs_layout_passes=False, use_tc_tiling_on_sc=False),
        scratch_types=[
            pltpu.VMEM((NCHUNK, CHUNK), jnp.int32),
            pltpu.VMEM((NCHUNK, CHUNK), jnp.int32),
            pltpu.VMEM((BPW, NF), jnp.float32),
            pltpu.VMEM((BPW, NF), jnp.float32),
            pltpu.VMEM((BPW,), jnp.float32),
            pltpu.VMEM((BPW,), jnp.float32),
            pltpu.VMEM((16,), jnp.float32),
            pltpu.VMEM((BPW,), jnp.float32),
            pltpu.SemaphoreType.DMA,
        ],
    )
    def k(uidx_hbm, sidx_hbm, ufac_hbm, sfac_hbm, uoff_hbm, soff_hbm,
          g_hbm, out_hbm, uidx_v, sidx_v, urows_v, srows_v, uoffs_v,
          soffs_v, g_v, out_v, sem):
        wid = lax.axis_index("s") * 2 + lax.axis_index("c")
        base = wid * BPW

        pltpu.sync_copy(uidx_hbm.at[wid], uidx_v)
        pltpu.sync_copy(sidx_hbm.at[wid], sidx_v)
        pltpu.sync_copy(g_hbm, g_v)

        copies = []
        for j in range(NCHUNK):
            dst = pl.ds(j * CHUNK, CHUNK)
            copies.append(
                pltpu.async_copy(ufac_hbm.at[uidx_v.at[j]], urows_v.at[dst], sem))
            copies.append(
                pltpu.async_copy(sfac_hbm.at[sidx_v.at[j]], srows_v.at[dst], sem))
            copies.append(
                pltpu.async_copy(uoff_hbm.at[uidx_v.at[j]], uoffs_v.at[dst], sem))
            copies.append(
                pltpu.async_copy(soff_hbm.at[sidx_v.at[j]], soffs_v.at[dst], sem))
        for c in copies:
            c.wait()

        g = g_v[...]

        def body(c, carry):
            rows = jnp.arange(16, dtype=jnp.int32) + c * 16
            acc = g
            for j in range(NF):
                cols = jnp.full((16,), j, dtype=jnp.int32)
                uv = plsc.load_gather(urows_v, [rows, cols])
                sv = plsc.load_gather(srows_v, [rows, cols])
                acc = acc + uv * sv
            sl = pl.ds(c * 16, 16)
            out_v[sl] = acc + uoffs_v[sl] + soffs_v[sl]
            return carry

        lax.fori_loop(0, BPW // 16, body, 0)

        pltpu.sync_copy(out_v, out_hbm.at[pl.ds(base, BPW)])

    return k(uidx, sidx, ufac, sfac, uoff, soff, goff16)


def kernel(user_indexes, statement_indexes, user_factors, statement_factors,
           user_offsets, statement_offsets, global_offset):
    uidx = user_indexes.astype(jnp.int32).reshape(NW, NCHUNK, CHUNK)
    sidx = statement_indexes.astype(jnp.int32).reshape(NW, NCHUNK, CHUNK)
    uoff = user_offsets.reshape(-1)
    soff = statement_offsets.reshape(-1)
    g16 = jnp.broadcast_to(global_offset.reshape(1), (16,))
    return _sc_factorization(uidx, sidx, user_factors, statement_factors,
                             uoff, soff, g16)

# --- scband reference (transcript-rebuilt; emitter-appended) ---
"""Pipeline reference for scband-matrix-factorization-90443421319471 (READ-ONLY COPY).

The authoritative reference and input builder live on the scoring server;
editing this copy changes nothing except your own understanding.
"""

import jax, jax.numpy as jnp
import numpy as np

N_USERS = 1000000
N_STMTS = 100000
N_FACTORS = 16
B = 16384


def setup_inputs(seed: int = 0) -> dict:
    key = jax.random.key(seed)
    ks = jax.random.split(key, 4)
    user_indexes = jax.random.randint(ks[0], (B,), 0, N_USERS)
    statement_indexes = jax.random.randint(ks[1], (B,), 0, N_STMTS)
    # xavier_uniform init for factor tables
    bound_u = float(np.sqrt(6.0 / (N_USERS + N_FACTORS)))
    bound_s = float(np.sqrt(6.0 / (N_STMTS + N_FACTORS)))
    user_factors = jax.random.uniform(ks[2], (N_USERS, N_FACTORS), minval=-bound_u, maxval=bound_u, dtype=jnp.float32)
    statement_factors = jax.random.uniform(ks[3], (N_STMTS, N_FACTORS), minval=-bound_s, maxval=bound_s, dtype=jnp.float32)
    user_offsets = jnp.zeros((N_USERS, 1), dtype=jnp.float32)
    statement_offsets = jnp.zeros((N_STMTS, 1), dtype=jnp.float32)
    global_offset = jnp.zeros((1, 1), dtype=jnp.float32)
    return {
        "user_indexes": user_indexes,
        "statement_indexes": statement_indexes,
        "user_factors": user_factors,
        "statement_factors": statement_factors,
        "user_offsets": user_offsets,
        "statement_offsets": statement_offsets,
        "global_offset": global_offset,
    }


def reference(user_indexes, statement_indexes, user_factors, statement_factors, user_offsets, statement_offsets, global_offset):
    user_embedding = jnp.take(user_factors, user_indexes, axis=0)
    statement_embedding = jnp.take(statement_factors, statement_indexes, axis=0)
    user_offset = jnp.squeeze(jnp.take(user_offsets, user_indexes, axis=0))
    statement_offset = jnp.squeeze(jnp.take(statement_offsets, statement_indexes, axis=0))
    dot_product = jnp.sum(user_embedding * statement_embedding, axis=-1)
    return jnp.squeeze(global_offset + user_offset + statement_offset + dot_product)

if __name__ == "__main__":
    import jax
    _d = setup_inputs()
    print(jax.jit(kernel)(*tuple(_d.values())))

</pallas_src>

<mosaic_0001>
#map = affine_map<(d0, d1) -> (0, 0, 0)>
#map1 = affine_map<(d0, d1) -> (0, 0)>
#map2 = affine_map<(d0, d1) -> (0)>
module attributes {stable_mosaic.version = 14 : i64} {
  func.func @k(%arg0: i32, %arg1: i32, %arg2: memref<32x4x128xi32, #tpu.memory_space<hbm>>, %arg3: memref<32x4x128xi32, #tpu.memory_space<hbm>>, %arg4: memref<1000000x16xf32, #tpu.memory_space<hbm>>, %arg5: memref<100000x16xf32, #tpu.memory_space<hbm>>, %arg6: memref<1000000xf32, #tpu.memory_space<hbm>>, %arg7: memref<100000xf32, #tpu.memory_space<hbm>>, %arg8: memref<16xf32, #tpu.memory_space<hbm>>, %arg9: memref<16384xf32, #tpu.memory_space<hbm>>, %arg10: memref<4x128xi32, #tpu.memory_space<vmem>>, %arg11: memref<4x128xi32, #tpu.memory_space<vmem>>, %arg12: memref<512x16xf32, #tpu.memory_space<vmem>>, %arg13: memref<512x16xf32, #tpu.memory_space<vmem>>, %arg14: memref<512xf32, #tpu.memory_space<vmem>>, %arg15: memref<512xf32, #tpu.memory_space<vmem>>, %arg16: memref<16xf32, #tpu.memory_space<vmem>>, %arg17: memref<512xf32, #tpu.memory_space<vmem>>, %arg18: memref<!tpu.dma_semaphore, #tpu.memory_space<semaphore_mem>>) attributes {dimension_semantics = [#tpu.dimension_semantics<core_parallel>, #tpu.dimension_semantics<subcore_parallel>], iteration_bounds = array<i64: 2, 16>, scalar_prefetch = 0 : i64, scratch_operands = 9 : i64, tpu.core_type = #tpu.core_type<sc_vector_subcore>, window_params = [{transform_indices = #map}, {transform_indices = #map}, {transform_indices = #map1}, {transform_indices = #map1}, {transform_indices = #map2}, {transform_indices = #map2}, {transform_indices = #map2}, {transform_indices = #map2}]} {
    %mul3A = arith.constant 2 : i32
    %mul3A_0 = arith.muli %arg1, %mul3A : i32
    %add3A = arith.addi %mul3A_0, %arg0 : i32
    %mul3A_1 = arith.constant 512 : i32
    %mul3A_2 = arith.muli %add3A, %mul3A_1 : i32
    "tpu.region"() ({
      %run_scoped3A = tpu.sem_alloc : memref<!tpu.dma_semaphore, #tpu.memory_space<semaphore_mem>>
      %dma_start3A_295 = arith.constant 0 : i32
      %dma_start3A_296 = arith.constant 0 : i32
      %dma_start3A_297 = tpu.memref_slice %arg2[%add3A, %dma_start3A_295, %dma_start3A_296] : memref<32x4x128xi32, #tpu.memory_space<hbm>> -> memref<1x4x128xi32, #tpu.memory_space<hbm>>
      %dma_start3A_298 = tpu.memref_squeeze %dma_start3A_297 : memref<1x4x128xi32, #tpu.memory_space<hbm>> -> memref<4x128xi32, #tpu.memory_space<hbm>>
      %dma_start3A_299 = arith.constant 0 : i32
      %dma_start3A_300 = arith.constant 0 : i32
      %dma_start3A_301 = tpu.memref_slice %arg2[%add3A, %dma_start3A_299, %dma_start3A_300] : memref<32x4x128xi32, #tpu.memory_space<hbm>> -> memref<1x4x128xi32, #tpu.memory_space<hbm>>
      %dma_start3A_302 = tpu.memref_squeeze %dma_start3A_301 : memref<1x4x128xi32, #tpu.memory_space<hbm>> -> memref<4x128xi32, #tpu.memory_space<hbm>>
      tpu.enqueue_dma source(%dma_start3A_302 : memref<4x128xi32, #tpu.memory_space<hbm>>) target(%arg10 : memref<4x128xi32, #tpu.memory_space<vmem>>) target_semaphore(%run_scoped3A : memref<!tpu.dma_semaphore, #tpu.memory_space<semaphore_mem>>)
      %dma_wait3A_303 = arith.constant 0 : i32
      %dma_wait3A_304 = arith.constant 0 : i32
      %dma_wait3A_305 = tpu.memref_slice %arg2[%add3A, %dma_wait3A_303, %dma_wait3A_304] : memref<32x4x128xi32, #tpu.memory_space<hbm>> -> memref<1x4x128xi32, #tpu.memory_space<hbm>>
      %dma_wait3A_306 = tpu.memref_squeeze %dma_wait3A_305 : memref<1x4x128xi32, #tpu.memory_space<hbm>> -> memref<4x128xi32, #tpu.memory_space<hbm>>
      %dma_wait3A_307 = arith.constant 0 : i32
      %dma_wait3A_308 = arith.constant 0 : i32
      %dma_wait3A_309 = tpu.memref_slice %arg2[%add3A, %dma_wait3A_307, %dma_wait3A_308] : memref<32x4x128xi32, #tpu.memory_space<hbm>> -> memref<1x4x128xi32, #tpu.memory_space<hbm>>
      %dma_wait3A_310 = tpu.memref_squeeze %dma_wait3A_309 : memref<1x4x128xi32, #tpu.memory_space<hbm>> -> memref<4x128xi32, #tpu.memory_space<hbm>>
      tpu.wait_dma2 semaphore(%run_scoped3A : memref<!tpu.dma_semaphore, #tpu.memory_space<semaphore_mem>>) src(%dma_wait3A_310 : memref<4x128xi32, #tpu.memory_space<hbm>>) dst(%arg10 : memref<4x128xi32, #tpu.memory_space<vmem>>)
      tpu.yield
    }) : () -> ()
    "tpu.region"() ({
      %run_scoped3A = tpu.sem_alloc : memref<!tpu.dma_semaphore, #tpu.memory_space<semaphore_mem>>
      %dma_start3A_295 = arith.constant 0 : i32
      %dma_start3A_296 = arith.constant 0 : i32
      %dma_start3A_297 = tpu.memref_slice %arg3[%add3A, %dma_start3A_295, %dma_start3A_296] : memref<32x4x128xi32, #tpu.memory_space<hbm>> -> memref<1x4x128xi32, #tpu.memory_space<hbm>>
      %dma_start3A_298 = tpu.memref_squeeze %dma_start3A_297 : memref<1x4x128xi32, #tpu.memory_space<hbm>> -> memref<4x128xi32, #tpu.memory_space<hbm>>
      %dma_start3A_299 = arith.constant 0 : i32
      %dma_start3A_300 = arith.constant 0 : i32
      %dma_start3A_301 = tpu.memref_slice %arg3[%add3A, %dma_start3A_299, %dma_start3A_300] : memref<32x4x128xi32, #tpu.memory_space<hbm>> -> memref<1x4x128xi32, #tpu.memory_space<hbm>>
      %dma_start3A_302 = tpu.memref_squeeze %dma_start3A_301 : memref<1x4x128xi32, #tpu.memory_space<hbm>> -> memref<4x128xi32, #tpu.memory_space<hbm>>
      tpu.enqueue_dma source(%dma_start3A_302 : memref<4x128xi32, #tpu.memory_space<hbm>>) target(%arg11 : memref<4x128xi32, #tpu.memory_space<vmem>>) target_semaphore(%run_scoped3A : memref<!tpu.dma_semaphore, #tpu.memory_space<semaphore_mem>>)
      %dma_wait3A_303 = arith.constant 0 : i32
      %dma_wait3A_304 = arith.constant 0 : i32
      %dma_wait3A_305 = tpu.memref_slice %arg3[%add3A, %dma_wait3A_303, %dma_wait3A_304] : memref<32x4x128xi32, #tpu.memory_space<hbm>> -> memref<1x4x128xi32, #tpu.memory_space<hbm>>
      %dma_wait3A_306 = tpu.memref_squeeze %dma_wait3A_305 : memref<1x4x128xi32, #tpu.memory_space<hbm>> -> memref<4x128xi32, #tpu.memory_space<hbm>>
      %dma_wait3A_307 = arith.constant 0 : i32
      %dma_wait3A_308 = arith.constant 0 : i32
      %dma_wait3A_309 = tpu.memref_slice %arg3[%add3A, %dma_wait3A_307, %dma_wait3A_308] : memref<32x4x128xi32, #tpu.memory_space<hbm>> -> memref<1x4x128xi32, #tpu.memory_space<hbm>>
      %dma_wait3A_310 = tpu.memref_squeeze %dma_wait3A_309 : memref<1x4x128xi32, #tpu.memory_space<hbm>> -> memref<4x128xi32, #tpu.memory_space<hbm>>
      tpu.wait_dma2 semaphore(%run_scoped3A : memref<!tpu.dma_semaphore, #tpu.memory_space<semaphore_mem>>) src(%dma_wait3A_310 : memref<4x128xi32, #tpu.memory_space<hbm>>) dst(%arg11 : memref<4x128xi32, #tpu.memory_space<vmem>>)
      tpu.yield
    }) : () -> ()
    "tpu.region"() ({
      %run_scoped3A = tpu.sem_alloc : memref<!tpu.dma_semaphore, #tpu.memory_space<semaphore_mem>>
      tpu.enqueue_dma source(%arg8 : memref<16xf32, #tpu.memory_space<hbm>>) target(%arg16 : memref<16xf32, #tpu.memory_space<vmem>>) target_semaphore(%run_scoped3A : memref<!tpu.dma_semaphore, #tpu.memory_space<semaphore_mem>>)
      tpu.wait_dma2 semaphore(%run_scoped3A : memref<!tpu.dma_semaphore, #tpu.memory_space<semaphore_mem>>) src(%arg8 : memref<16xf32, #tpu.memory_space<hbm>>) dst(%arg16 : memref<16xf32, #tpu.memory_space<vmem>>)
      tpu.yield
    }) : () -> ()
    %dma_start3A = arith.constant 0 : i32
    %dma_start3A_3 = arith.constant 0 : i32
    %dma_start3A_4 = arith.constant 0 : i32
    %dma_start3A_5 = tpu.memref_slice %arg12[%dma_start3A_3, %dma_start3A_4] : memref<512x16xf32, #tpu.memory_space<vmem>> -> memref<128x16xf32, #tpu.memory_space<vmem>>
    %dma_start3A_6 = arith.constant 0 : i32
    %dma_start3A_7 = tpu.memref_slice %arg10[%dma_start3A, %dma_start3A_6] : memref<4x128xi32, #tpu.memory_space<vmem>> -> memref<1x128xi32, #tpu.memory_space<vmem>>
    %dma_start3A_8 = tpu.memref_squeeze %dma_start3A_7 : memref<1x128xi32, #tpu.memory_space<vmem>> -> memref<128xi32, #tpu.memory_space<vmem>>
    %dma_start3A_9 = arith.constant 0 : i32
    %dma_start3A_10 = arith.constant 0 : i32
    %dma_start3A_11 = tpu.memref_slice %arg4[%dma_start3A_9, %dma_start3A_10] : memref<1000000x16xf32, #tpu.memory_space<hbm>> -> memref<1000000x16xf32, #tpu.memory_space<hbm>>
    tpu.enqueue_indirect_dma source(%dma_start3A_11 : memref<1000000x16xf32, #tpu.memory_space<hbm>>) target(%dma_start3A_5 : memref<128x16xf32, #tpu.memory_space<vmem>>) offsets(%dma_start3A_8 : memref<128xi32, #tpu.memory_space<vmem>>) semaphore(%arg18 : memref<!tpu.dma_semaphore, #tpu.memory_space<semaphore_mem>>)
    %dma_start3A_12 = arith.constant 0 : i32
    %dma_start3A_13 = arith.constant 0 : i32
    %dma_start3A_14 = arith.constant 0 : i32
    %dma_start3A_15 = tpu.memref_slice %arg13[%dma_start3A_13, %dma_start3A_14] : memref<512x16xf32, #tpu.memory_space<vmem>> -> memref<128x16xf32, #tpu.memory_space<vmem>>
    %dma_start3A_16 = arith.constant 0 : i32
    %dma_start3A_17 = tpu.memref_slice %arg11[%dma_start3A_12, %dma_start3A_16] : memref<4x128xi32, #tpu.memory_space<vmem>> -> memref<1x128xi32, #tpu.memory_space<vmem>>
    %dma_start3A_18 = tpu.memref_squeeze %dma_start3A_17 : memref<1x128xi32, #tpu.memory_space<vmem>> -> memref<128xi32, #tpu.memory_space<vmem>>
    %dma_start3A_19 = arith.constant 0 : i32
    %dma_start3A_20 = arith.constant 0 : i32
    %dma_start3A_21 = tpu.memref_slice %arg5[%dma_start3A_19, %dma_start3A_20] : memref<100000x16xf32, #tpu.memory_space<hbm>> -> memref<100000x16xf32, #tpu.memory_space<hbm>>
    tpu.enqueue_indirect_dma source(%dma_start3A_21 : memref<100000x16xf32, #tpu.memory_space<hbm>>) target(%dma_start3A_15 : memref<128x16xf32, #tpu.memory_space<vmem>>) offsets(%dma_start3A_18 : memref<128xi32, #tpu.memory_space<vmem>>) semaphore(%arg18 : memref<!tpu.dma_semaphore, #tpu.memory_space<semaphore_mem>>)
    %dma_start3A_22 = arith.constant 0 : i32
    %dma_start3A_23 = arith.constant 0 : i32
    %dma_start3A_24 = tpu.memref_slice %arg14[%dma_start3A_23] : memref<512xf32, #tpu.memory_space<vmem>> -> memref<128xf32, #tpu.memory_space<vmem>>
    %dma_start3A_25 = arith.constant 0 : i32
    %dma_start3A_26 = tpu.memref_slice %arg10[%dma_start3A_22, %dma_start3A_25] : memref<4x128xi32, #tpu.memory_space<vmem>> -> memref<1x128xi32, #tpu.memory_space<vmem>>
    %dma_start3A_27 = tpu.memref_squeeze %dma_start3A_26 : memref<1x128xi32, #tpu.memory_space<vmem>> -> memref<128xi32, #tpu.memory_space<vmem>>
    %dma_start3A_28 = arith.constant 0 : i32
    %dma_start3A_29 = tpu.memref_slice %arg6[%dma_start3A_28] : memref<1000000xf32, #tpu.memory_space<hbm>> -> memref<1000000xf32, #tpu.memory_space<hbm>>
    tpu.enqueue_indirect_dma source(%dma_start3A_29 : memref<1000000xf32, #tpu.memory_space<hbm>>) target(%dma_start3A_24 : memref<128xf32, #tpu.memory_space<vmem>>) offsets(%dma_start3A_27 : memref<128xi32, #tpu.memory_space<vmem>>) semaphore(%arg18 : memref<!tpu.dma_semaphore, #tpu.memory_space<semaphore_mem>>)
    %dma_start3A_30 = arith.constant 0 : i32
    %dma_start3A_31 = arith.constant 0 : i32
    %dma_start3A_32 = tpu.memref_slice %arg15[%dma_start3A_31] : memref<512xf32, #tpu.memory_space<vmem>> -> memref<128xf32, #tpu.memory_space<vmem>>
    %dma_start3A_33 = arith.constant 0 : i32
    %dma_start3A_34 = tpu.memref_slice %arg11[%dma_start3A_30, %dma_start3A_33] : memref<4x128xi32, #tpu.memory_space<vmem>> -> memref<1x128xi32, #tpu.memory_space<vmem>>
    %dma_start3A_35 = tpu.memref_squeeze %dma_start3A_34 : memref<1x128xi32, #tpu.memory_space<vmem>> -> memref<128xi32, #tpu.memory_space<vmem>>
    %dma_start3A_36 = arith.constant 0 : i32
    %dma_start3A_37 = tpu.memref_slice %arg7[%dma_start3A_36] : memref<100000xf32, #tpu.memory_space<hbm>> -> memref<100000xf32, #tpu.memory_space<hbm>>
    tpu.enqueue_indirect_dma source(%dma_start3A_37 : memref<100000xf32, #tpu.memory_space<hbm>>) target(%dma_start3A_32 : memref<128xf32, #tpu.memory_space<vmem>>) offsets(%dma_start3A_35 : memref<128xi32, #tpu.memory_space<vmem>>) semaphore(%arg18 : memref<!tpu.dma_semaphore, #tpu.memory_space<semaphore_mem>>)
    %dma_start3A_38 = arith.constant 1 : i32
    %dma_start3A_39 = arith.constant 128 : i32
    %dma_start3A_40 = arith.constant 0 : i32
    %dma_start3A_41 = tpu.memref_slice %arg12[%dma_start3A_39, %dma_start3A_40] : memref<512x16xf32, #tpu.memory_space<vmem>> -> memref<128x16xf32, #tpu.memory_space<vmem>>
    %dma_start3A_42 = arith.constant 0 : i32
    %dma_start3A_43 = tpu.memref_slice %arg10[%dma_start3A_38, %dma_start3A_42] : memref<4x128xi32, #tpu.memory_space<vmem>> -> memref<1x128xi32, #tpu.memory_space<vmem>>
    %dma_start3A_44 = tpu.memref_squeeze %dma_start3A_43 : memref<1x128xi32, #tpu.memory_space<vmem>> -> memref<128xi32, #tpu.memory_space<vmem>>
    %dma_start3A_45 = arith.constant 0 : i32
    %dma_start3A_46 = arith.constant 0 : i32
    %dma_start3A_47 = tpu.memref_slice %arg4[%dma_start3A_45, %dma_start3A_46] : memref<1000000x16xf32, #tpu.memory_space<hbm>> -> memref<1000000x16xf32, #tpu.memory_space<hbm>>
    tpu.enqueue_indirect_dma source(%dma_start3A_47 : memref<1000000x16xf32, #tpu.memory_space<hbm>>) target(%dma_start3A_41 : memref<128x16xf32, #tpu.memory_space<vmem>>) offsets(%dma_start3A_44 : memref<128xi32, #tpu.memory_space<vmem>>) semaphore(%arg18 : memref<!tpu.dma_semaphore, #tpu.memory_space<semaphore_mem>>)
    %dma_start3A_48 = arith.constant 1 : i32
    %dma_start3A_49 = arith.constant 128 : i32
    %dma_start3A_50 = arith.constant 0 : i32
    %dma_start3A_51 = tpu.memref_slice %arg13[%dma_start3A_49, %dma_start3A_50] : memref<512x16xf32, #tpu.memory_space<vmem>> -> memref<128x16xf32, #tpu.memory_space<vmem>>
    %dma_start3A_52 = arith.constant 0 : i32
    %dma_start3A_53 = tpu.memref_slice %arg11[%dma_start3A_48, %dma_start3A_52] : memref<4x128xi32, #tpu.memory_space<vmem>> -> memref<1x128xi32, #tpu.memory_space<vmem>>
    %dma_start3A_54 = tpu.memref_squeeze %dma_start3A_53 : memref<1x128xi32, #tpu.memory_space<vmem>> -> memref<128xi32, #tpu.memory_space<vmem>>
    %dma_start3A_55 = arith.constant 0 : i32
    %dma_start3A_56 = arith.constant 0 : i32
    %dma_start3A_57 = tpu.memref_slice %arg5[%dma_start3A_55, %dma_start3A_56] : memref<100000x16xf32, #tpu.memory_space<hbm>> -> memref<100000x16xf32, #tpu.memory_space<hbm>>
    tpu.enqueue_indirect_dma source(%dma_start3A_57 : memref<100000x16xf32, #tpu.memory_space<hbm>>) target(%dma_start3A_51 : memref<128x16xf32, #tpu.memory_space<vmem>>) offsets(%dma_start3A_54 : memref<128xi32, #tpu.memory_space<vmem>>) semaphore(%arg18 : memref<!tpu.dma_semaphore, #tpu.memory_space<semaphore_mem>>)
    %dma_start3A_58 = arith.constant 1 : i32
    %dma_start3A_59 = arith.constant 128 : i32
    %dma_start3A_60 = tpu.memref_slice %arg14[%dma_start3A_59] : memref<512xf32, #tpu.memory_space<vmem>> -> memref<128xf32, #tpu.memory_space<vmem>>
    %dma_start3A_61 = arith.constant 0 : i32
    %dma_start3A_62 = tpu.memref_slice %arg10[%dma_start3A_58, %dma_start3A_61] : memref<4x128xi32, #tpu.memory_space<vmem>> -> memref<1x128xi32, #tpu.memory_space<vmem>>
    %dma_start3A_63 = tpu.memref_squeeze %dma_start3A_62 : memref<1x128xi32, #tpu.memory_space<vmem>> -> memref<128xi32, #tpu.memory_space<vmem>>
    %dma_start3A_64 = arith.constant 0 : i32
    %dma_start3A_65 = tpu.memref_slice %arg6[%dma_start3A_64] : memref<1000000xf32, #tpu.memory_space<hbm>> -> memref<1000000xf32, #tpu.memory_space<hbm>>
    tpu.enqueue_indirect_dma source(%dma_start3A_65 : memref<1000000xf32, #tpu.memory_space<hbm>>) target(%dma_start3A_60 : memref<128xf32, #tpu.memory_space<vmem>>) offsets(%dma_start3A_63 : memref<128xi32, #tpu.memory_space<vmem>>) semaphore(%arg18 : memref<!tpu.dma_semaphore, #tpu.memory_space<semaphore_mem>>)
    %dma_start3A_66 = arith.constant 1 : i32
    %dma_start3A_67 = arith.constant 128 : i32
    %dma_start3A_68 = tpu.memref_slice %arg15[%dma_start3A_67] : memref<512xf32, #tpu.memory_space<vmem>> -> memref<128xf32, #tpu.memory_space<vmem>>
    %dma_start3A_69 = arith.constant 0 : i32
    %dma_start3A_70 = tpu.memref_slice %arg11[%dma_start3A_66, %dma_start3A_69] : memref<4x128xi32, #tpu.memory_space<vmem>> -> memref<1x128xi32, #tpu.memory_space<vmem>>
    %dma_start3A_71 = tpu.memref_squeeze %dma_start3A_70 : memref<1x128xi32, #tpu.memory_space<vmem>> -> memref<128xi32, #tpu.memory_space<vmem>>
    %dma_start3A_72 = arith.constant 0 : i32
    %dma_start3A_73 = tpu.memref_slice %arg7[%dma_start3A_72] : memref<100000xf32, #tpu.memory_space<hbm>> -> memref<100000xf32, #tpu.memory_space<hbm>>
    tpu.enqueue_indirect_dma source(%dma_start3A_73 : memref<100000xf32, #tpu.memory_space<hbm>>) target(%dma_start3A_68 : memref<128xf32, #tpu.memory_space<vmem>>) offsets(%dma_start3A_71 : memref<128xi32, #tpu.memory_space<vmem>>) semaphore(%arg18 : memref<!tpu.dma_semaphore, #tpu.memory_space<semaphore_mem>>)
    %dma_start3A_74 = arith.constant 2 : i32
    %dma_start3A_75 = arith.constant 256 : i32
    %dma_start3A_76 = arith.constant 0 : i32
    %dma_start3A_77 = tpu.memref_slice %arg12[%dma_start3A_75, %dma_start3A_76] : memref<512x16xf32, #tpu.memory_space<vmem>> -> memref<128x16xf32, #tpu.memory_space<vmem>>
    %dma_start3A_78 = arith.constant 0 : i32
    %dma_start3A_79 = tpu.memref_slice %arg10[%dma_start3A_74, %dma_start3A_78] : memref<4x128xi32, #tpu.memory_space<vmem>> -> memref<1x128xi32, #tpu.memory_space<vmem>>
    %dma_start3A_80 = tpu.memref_squeeze %dma_start3A_79 : memref<1x128xi32, #tpu.memory_space<vmem>> -> memref<128xi32, #tpu.memory_space<vmem>>
    %dma_start3A_81 = arith.constant 0 : i32
    %dma_start3A_82 = arith.constant 0 : i32
    %dma_start3A_83 = tpu.memref_slice %arg4[%dma_start3A_81, %dma_start3A_82] : memref<1000000x16xf32, #tpu.memory_space<hbm>> -> memref<1000000x16xf32, #tpu.memory_space<hbm>>
    tpu.enqueue_indirect_dma source(%dma_start3A_83 : memref<1000000x16xf32, #tpu.memory_space<hbm>>) target(%dma_start3A_77 : memref<128x16xf32, #tpu.memory_space<vmem>>) offsets(%dma_start3A_80 : memref<128xi32, #tpu.memory_space<vmem>>) semaphore(%arg18 : memref<!tpu.dma_semaphore, #tpu.memory_space<semaphore_mem>>)
    %dma_start3A_84 = arith.constant 2 : i32
    %dma_start3A_85 = arith.constant 256 : i32
    %dma_start3A_86 = arith.constant 0 : i32
    %dma_start3A_87 = tpu.memref_slice %arg13[%dma_start3A_85, %dma_start3A_86] : memref<512x16xf32, #tpu.memory_space<vmem>> -> memref<128x16xf32, #tpu.memory_space<vmem>>
    %dma_start3A_88 = arith.constant 0 : i32
    %dma_start3A_89 = tpu.memref_slice %arg11[%dma_start3A_84, %dma_start3A_88] : memref<4x128xi32, #tpu.memory_space<vmem>> -> memref<1x128xi32, #tpu.memory_space<vmem>>
    %dma_start3A_90 = tpu.memref_squeeze %dma_start3A_89 : memref<1x128xi32, #tpu.memory_space<vmem>> -> memref<128xi32, #tpu.memory_space<vmem>>
    %dma_start3A_91 = arith.constant 0 : i32
    %dma_start3A_92 = arith.constant 0 : i32
    %dma_start3A_93 = tpu.memref_slice %arg5[%dma_start3A_91, %dma_start3A_92] : memref<100000x16xf32, #tpu.memory_space<hbm>> -> memref<100000x16xf32, #tpu.memory_space<hbm>>
    tpu.enqueue_indirect_dma source(%dma_start3A_93 : memref<100000x16xf32, #tpu.memory_space<hbm>>) target(%dma_start3A_87 : memref<128x16xf32, #tpu.memory_space<vmem>>) offsets(%dma_start3A_90 : memref<128xi32, #tpu.memory_space<vmem>>) semaphore(%arg18 : memref<!tpu.dma_semaphore, #tpu.memory_space<semaphore_mem>>)
    %dma_start3A_94 = arith.constant 2 : i32
    %dma_start3A_95 = arith.constant 256 : i32
    %dma_start3A_96 = tpu.memref_slice %arg14[%dma_start3A_95] : memref<512xf32, #tpu.memory_space<vmem>> -> memref<128xf32, #tpu.memory_space<vmem>>
    %dma_start3A_97 = arith.constant 0 : i32
    %dma_start3A_98 = tpu.memref_slice %arg10[%dma_start3A_94, %dma_start3A_97] : memref<4x128xi32, #tpu.memory_space<vmem>> -> memref<1x128xi32, #tpu.memory_space<vmem>>
    %dma_start3A_99 = tpu.memref_squeeze %dma_start3A_98 : memref<1x128xi32, #tpu.memory_space<vmem>> -> memref<128xi32, #tpu.memory_space<vmem>>
    %dma_start3A_100 = arith.constant 0 : i32
    %dma_start3A_101 = tpu.memref_slice %arg6[%dma_start3A_100] : memref<1000000xf32, #tpu.memory_space<hbm>> -> memref<1000000xf32, #tpu.memory_space<hbm>>
    tpu.enqueue_indirect_dma source(%dma_start3A_101 : memref<1000000xf32, #tpu.memory_space<hbm>>) target(%dma_start3A_96 : memref<128xf32, #tpu.memory_space<vmem>>) offsets(%dma_start3A_99 : memref<128xi32, #tpu.memory_space<vmem>>) semaphore(%arg18 : memref<!tpu.dma_semaphore, #tpu.memory_space<semaphore_mem>>)
    %dma_start3A_102 = arith.constant 2 : i32
    %dma_start3A_103 = arith.constant 256 : i32
    %dma_start3A_104 = tpu.memref_slice %arg15[%dma_start3A_103] : memref<512xf32, #tpu.memory_space<vmem>> -> memref<128xf32, #tpu.memory_space<vmem>>
    %dma_start3A_105 = arith.constant 0 : i32
    %dma_start3A_106 = tpu.memref_slice %arg11[%dma_start3A_102, %dma_start3A_105] : memref<4x128xi32, #tpu.memory_space<vmem>> -> memref<1x128xi32, #tpu.memory_space<vmem>>
    %dma_start3A_107 = tpu.memref_squeeze %dma_start3A_106 : memref<1x128xi32, #tpu.memory_space<vmem>> -> memref<128xi32, #tpu.memory_space<vmem>>
    %dma_start3A_108 = arith.constant 0 : i32
    %dma_start3A_109 = tpu.memref_slice %arg7[%dma_start3A_108] : memref<100000xf32, #tpu.memory_space<hbm>> -> memref<100000xf32, #tpu.memory_space<hbm>>
    tpu.enqueue_indirect_dma source(%dma_start3A_109 : memref<100000xf32, #tpu.memory_space<hbm>>) target(%dma_start3A_104 : memref<128xf32, #tpu.memory_space<vmem>>) offsets(%dma_start3A_107 : memref<128xi32, #tpu.memory_space<vmem>>) semaphore(%arg18 : memref<!tpu.dma_semaphore, #tpu.memory_space<semaphore_mem>>)
    %dma_start3A_110 = arith.constant 3 : i32
    %dma_start3A_111 = arith.constant 384 : i32
    %dma_start3A_112 = arith.constant 0 : i32
    %dma_start3A_113 = tpu.memref_slice %arg12[%dma_start3A_111, %dma_start3A_112] : memref<512x16xf32, #tpu.memory_space<vmem>> -> memref<128x16xf32, #tpu.memory_space<vmem>>
    %dma_start3A_114 = arith.constant 0 : i32
    %dma_start3A_115 = tpu.memref_slice %arg10[%dma_start3A_110, %dma_start3A_114] : memref<4x128xi32, #tpu.memory_space<vmem>> -> memref<1x128xi32, #tpu.memory_space<vmem>>
    %dma_start3A_116 = tpu.memref_squeeze %dma_start3A_115 : memref<1x128xi32, #tpu.memory_space<vmem>> -> memref<128xi32, #tpu.memory_space<vmem>>
    %dma_start3A_117 = arith.constant 0 : i32
    %dma_start3A_118 = arith.constant 0 : i32
    %dma_start3A_119 = tpu.memref_slice %arg4[%dma_start3A_117, %dma_start3A_118] : memref<1000000x16xf32, #tpu.memory_space<hbm>> -> memref<1000000x16xf32, #tpu.memory_space<hbm>>
    tpu.enqueue_indirect_dma source(%dma_start3A_119 : memref<1000000x16xf32, #tpu.memory_space<hbm>>) target(%dma_start3A_113 : memref<128x16xf32, #tpu.memory_space<vmem>>) offsets(%dma_start3A_116 : memref<128xi32, #tpu.memory_space<vmem>>) semaphore(%arg18 : memref<!tpu.dma_semaphore, #tpu.memory_space<semaphore_mem>>)
    %dma_start3A_120 = arith.constant 3 : i32
    %dma_start3A_121 = arith.constant 384 : i32
    %dma_start3A_122 = arith.constant 0 : i32
    %dma_start3A_123 = tpu.memref_slice %arg13[%dma_start3A_121, %dma_start3A_122] : memref<512x16xf32, #tpu.memory_space<vmem>> -> memref<128x16xf32, #tpu.memory_space<vmem>>
    %dma_start3A_124 = arith.constant 0 : i32
    %dma_start3A_125 = tpu.memref_slice %arg11[%dma_start3A_120, %dma_start3A_124] : memref<4x128xi32, #tpu.memory_space<vmem>> -> memref<1x128xi32, #tpu.memory_space<vmem>>
    %dma_start3A_126 = tpu.memref_squeeze %dma_start3A_125 : memref<1x128xi32, #tpu.memory_space<vmem>> -> memref<128xi32, #tpu.memory_space<vmem>>
    %dma_start3A_127 = arith.constant 0 : i32
    %dma_start3A_128 = arith.constant 0 : i32
    %dma_start3A_129 = tpu.memref_slice %arg5[%dma_start3A_127, %dma_start3A_128] : memref<100000x16xf32, #tpu.memory_space<hbm>> -> memref<100000x16xf32, #tpu.memory_space<hbm>>
    tpu.enqueue_indirect_dma source(%dma_start3A_129 : memref<100000x16xf32, #tpu.memory_space<hbm>>) target(%dma_start3A_123 : memref<128x16xf32, #tpu.memory_space<vmem>>) offsets(%dma_start3A_126 : memref<128xi32, #tpu.memory_space<vmem>>) semaphore(%arg18 : memref<!tpu.dma_semaphore, #tpu.memory_space<semaphore_mem>>)
    %dma_start3A_130 = arith.constant 3 : i32
    %dma_start3A_131 = arith.constant 384 : i32
    %dma_start3A_132 = tpu.memref_slice %arg14[%dma_start3A_131] : memref<512xf32, #tpu.memory_space<vmem>> -> memref<128xf32, #tpu.memory_space<vmem>>
    %dma_start3A_133 = arith.constant 0 : i32
    %dma_start3A_134 = tpu.memref_slice %arg10[%dma_start3A_130, %dma_start3A_133] : memref<4x128xi32, #tpu.memory_space<vmem>> -> memref<1x128xi32, #tpu.memory_space<vmem>>
    %dma_start3A_135 = tpu.memref_squeeze %dma_start3A_134 : memref<1x128xi32, #tpu.memory_space<vmem>> -> memref<128xi32, #tpu.memory_space<vmem>>
    %dma_start3A_136 = arith.constant 0 : i32
    %dma_start3A_137 = tpu.memref_slice %arg6[%dma_start3A_136] : memref<1000000xf32, #tpu.memory_space<hbm>> -> memref<1000000xf32, #tpu.memory_space<hbm>>
    tpu.enqueue_indirect_dma source(%dma_start3A_137 : memref<1000000xf32, #tpu.memory_space<hbm>>) target(%dma_start3A_132 : memref<128xf32, #tpu.memory_space<vmem>>) offsets(%dma_start3A_135 : memref<128xi32, #tpu.memory_space<vmem>>) semaphore(%arg18 : memref<!tpu.dma_semaphore, #tpu.memory_space<semaphore_mem>>)
    %dma_start3A_138 = arith.constant 3 : i32
    %dma_start3A_139 = arith.constant 384 : i32
    %dma_start3A_140 = tpu.memref_slice %arg15[%dma_start3A_139] : memref<512xf32, #tpu.memory_space<vmem>> -> memref<128xf32, #tpu.memory_space<vmem>>
    %dma_start3A_141 = arith.constant 0 : i32
    %dma_start3A_142 = tpu.memref_slice %arg11[%dma_start3A_138, %dma_start3A_141] : memref<4x128xi32, #tpu.memory_space<vmem>> -> memref<1x128xi32, #tpu.memory_space<vmem>>
    %dma_start3A_143 = tpu.memref_squeeze %dma_start3A_142 : memref<1x128xi32, #tpu.memory_space<vmem>> -> memref<128xi32, #tpu.memory_space<vmem>>
    %dma_start3A_144 = arith.constant 0 : i32
    %dma_start3A_145 = tpu.memref_slice %arg7[%dma_start3A_144] : memref<100000xf32, #tpu.memory_space<hbm>> -> memref<100000xf32, #tpu.memory_space<hbm>>
    tpu.enqueue_indirect_dma source(%dma_start3A_145 : memref<100000xf32, #tpu.memory_space<hbm>>) target(%dma_start3A_140 : memref<128xf32, #tpu.memory_space<vmem>>) offsets(%dma_start3A_143 : memref<128xi32, #tpu.memory_space<vmem>>) semaphore(%arg18 : memref<!tpu.dma_semaphore, #tpu.memory_space<semaphore_mem>>)
    %dma_wait3A = arith.constant 0 : i32
    %dma_wait3A_146 = arith.constant 0 : i32
    %dma_wait3A_147 = arith.constant 0 : i32
    %dma_wait3A_148 = tpu.memref_slice %arg12[%dma_wait3A_146, %dma_wait3A_147] : memref<512x16xf32, #tpu.memory_space<vmem>> -> memref<128x16xf32, #tpu.memory_space<vmem>>
    %dma_wait3A_149 = arith.constant 0 : i32
    %dma_wait3A_150 = tpu.memref_slice %arg10[%dma_wait3A, %dma_wait3A_149] : memref<4x128xi32, #tpu.memory_space<vmem>> -> memref<1x128xi32, #tpu.memory_space<vmem>>
    %dma_wait3A_151 = tpu.memref_squeeze %dma_wait3A_150 : memref<1x128xi32, #tpu.memory_space<vmem>> -> memref<128xi32, #tpu.memory_space<vmem>>
    %dma_wait3A_152 = arith.constant 0 : i32
    %dma_wait3A_153 = arith.constant 0 : i32
    %dma_wait3A_154 = tpu.memref_slice %arg4[%dma_wait3A_152, %dma_wait3A_153] : memref<1000000x16xf32, #tpu.memory_space<hbm>> -> memref<1000000x16xf32, #tpu.memory_space<hbm>>
    tpu.wait_indirect_dma semaphore(%arg18 : memref<!tpu.dma_semaphore, #tpu.memory_space<semaphore_mem>>) src(%dma_wait3A_154 : memref<1000000x16xf32, #tpu.memory_space<hbm>>) dst(%dma_wait3A_148 : memref<128x16xf32, #tpu.memory_space<vmem>>)
    %dma_wait3A_155 = arith.constant 0 : i32
    %dma_wait3A_156 = arith.constant 0 : i32
    %dma_wait3A_157 = arith.constant 0 : i32
    %dma_wait3A_158 = tpu.memref_slice %arg13[%dma_wait3A_156, %dma_wait3A_157] : memref<512x16xf32, #tpu.memory_space<vmem>> -> memref<128x16xf32, #tpu.memory_space<vmem>>
    %dma_wait3A_159 = arith.constant 0 : i32
    %dma_wait3A_160 = tpu.memref_slice %arg11[%dma_wait3A_155, %dma_wait3A_159] : memref<4x128xi32, #tpu.memory_space<vmem>> -> memref<1x128xi32, #tpu.memory_space<vmem>>
    %dma_wait3A_161 = tpu.memref_squeeze %dma_wait3A_160 : memref<1x128xi32, #tpu.memory_space<vmem>> -> memref<128xi32, #tpu.memory_space<vmem>>
    %dma_wait3A_162 = arith.constant 0 : i32
    %dma_wait3A_163 = arith.constant 0 : i32
    %dma_wait3A_164 = tpu.memref_slice %arg5[%dma_wait3A_162, %dma_wait3A_163] : memref<100000x16xf32, #tpu.memory_space<hbm>> -> memref<100000x16xf32, #tpu.memory_space<hbm>>
    tpu.wait_indirect_dma semaphore(%arg18 : memref<!tpu.dma_semaphore, #tpu.memory_space<semaphore_mem>>) src(%dma_wait3A_164 : memref<100000x16xf32, #tpu.memory_space<hbm>>) dst(%dma_wait3A_158 : memref<128x16xf32, #tpu.memory_space<vmem>>)
    %dma_wait3A_165 = arith.constant 0 : i32
    %dma_wait3A_166 = arith.constant 0 : i32
    %dma_wait3A_167 = tpu.memref_slice %arg14[%dma_wait3A_166] : memref<512xf32, #tpu.memory_space<vmem>> -> memref<128xf32, #tpu.memory_space<vmem>>
    %dma_wait3A_168 = arith.constant 0 : i32
    %dma_wait3A_169 = tpu.memref_slice %arg10[%dma_wait3A_165, %dma_wait3A_168] : memref<4x128xi32, #tpu.memory_space<vmem>> -> memref<1x128xi32, #tpu.memory_space<vmem>>
    %dma_wait3A_170 = tpu.memref_squeeze %dma_wait3A_169 : memref<1x128xi32, #tpu.memory_space<vmem>> -> memref<128xi32, #tpu.memory_space<vmem>>
    %dma_wait3A_171 = arith.constant 0 : i32
    %dma_wait3A_172 = tpu.memref_slice %arg6[%dma_wait3A_171] : memref<1000000xf32, #tpu.memory_space<hbm>> -> memref<1000000xf32, #tpu.memory_space<hbm>>
    tpu.wait_indirect_dma semaphore(%arg18 : memref<!tpu.dma_semaphore, #tpu.memory_space<semaphore_mem>>) src(%dma_wait3A_172 : memref<1000000xf32, #tpu.memory_space<hbm>>) dst(%dma_wait3A_167 : memref<128xf32, #tpu.memory_space<vmem>>)
    %dma_wait3A_173 = arith.constant 0 : i32
    %dma_wait3A_174 = arith.constant 0 : i32
    %dma_wait3A_175 = tpu.memref_slice %arg15[%dma_wait3A_174] : memref<512xf32, #tpu.memory_space<vmem>> -> memref<128xf32, #tpu.memory_space<vmem>>
    %dma_wait3A_176 = arith.constant 0 : i32
    %dma_wait3A_177 = tpu.memref_slice %arg11[%dma_wait3A_173, %dma_wait3A_176] : memref<4x128xi32, #tpu.memory_space<vmem>> -> memref<1x128xi32, #tpu.memory_space<vmem>>
    %dma_wait3A_178 = tpu.memref_squeeze %dma_wait3A_177 : memref<1x128xi32, #tpu.memory_space<vmem>> -> memref<128xi32, #tpu.memory_space<vmem>>
    %dma_wait3A_179 = arith.constant 0 : i32
    %dma_wait3A_180 = tpu.memref_slice %arg7[%dma_wait3A_179] : memref<100000xf32, #tpu.memory_space<hbm>> -> memref<100000xf32, #tpu.memory_space<hbm>>
    tpu.wait_indirect_dma semaphore(%arg18 : memref<!tpu.dma_semaphore, #tpu.memory_space<semaphore_mem>>) src(%dma_wait3A_180 : memref<100000xf32, #tpu.memory_space<hbm>>) dst(%dma_wait3A_175 : memref<128xf32, #tpu.memory_space<vmem>>)
    %dma_wait3A_181 = arith.constant 1 : i32
    %dma_wait3A_182 = arith.constant 128 : i32
    %dma_wait3A_183 = arith.constant 0 : i32
    %dma_wait3A_184 = tpu.memref_slice %arg12[%dma_wait3A_182, %dma_wait3A_183] : memref<512x16xf32, #tpu.memory_space<vmem>> -> memref<128x16xf32, #tpu.memory_space<vmem>>
    %dma_wait3A_185 = arith.constant 0 : i32
    %dma_wait3A_186 = tpu.memref_slice %arg10[%dma_wait3A_181, %dma_wait3A_185] : memref<4x128xi32, #tpu.memory_space<vmem>> -> memref<1x128xi32, #tpu.memory_space<vmem>>
    %dma_wait3A_187 = tpu.memref_squeeze %dma_wait3A_186 : memref<1x128xi32, #tpu.memory_space<vmem>> -> memref<128xi32, #tpu.memory_space<vmem>>
    %dma_wait3A_188 = arith.constant 0 : i32
    %dma_wait3A_189 = arith.constant 0 : i32
    %dma_wait3A_190 = tpu.memref_slice %arg4[%dma_wait3A_188, %dma_wait3A_189] : memref<1000000x16xf32, #tpu.memory_space<hbm>> -> memref<1000000x16xf32, #tpu.memory_space<hbm>>
    tpu.wait_indirect_dma semaphore(%arg18 : memref<!tpu.dma_semaphore, #tpu.memory_space<semaphore_mem>>) src(%dma_wait3A_190 : memref<1000000x16xf32, #tpu.memory_space<hbm>>) dst(%dma_wait3A_184 : memref<128x16xf32, #tpu.memory_space<vmem>>)
    %dma_wait3A_191 = arith.constant 1 : i32
    %dma_wait3A_192 = arith.constant 128 : i32
    %dma_wait3A_193 = arith.constant 0 : i32
    %dma_wait3A_194 = tpu.memref_slice %arg13[%dma_wait3A_192, %dma_wait3A_193] : memref<512x16xf32, #tpu.memory_space<vmem>> -> memref<128x16xf32, #tpu.memory_space<vmem>>
    %dma_wait3A_195 = arith.constant 0 : i32
    %dma_wait3A_196 = tpu.memref_slice %arg11[%dma_wait3A_191, %dma_wait3A_195] : memref<4x128xi32, #tpu.memory_space<vmem>> -> memref<1x128xi32, #tpu.memory_space<vmem>>
    %dma_wait3A_197 = tpu.memref_squeeze %dma_wait3A_196 : memref<1x128xi32, #tpu.memory_space<vmem>> -> memref<128xi32, #tpu.memory_space<vmem>>
    %dma_wait3A_198 = arith.constant 0 : i32
    %dma_wait3A_199 = arith.constant 0 : i32
    %dma_wait3A_200 = tpu.memref_slice %arg5[%dma_wait3A_198, %dma_wait3A_199] : memref<100000x16xf32, #tpu.memory_space<hbm>> -> memref<100000x16xf32, #tpu.memory_space<hbm>>
    tpu.wait_indirect_dma semaphore(%arg18 : memref<!tpu.dma_semaphore, #tpu.memory_space<semaphore_mem>>) src(%dma_wait3A_200 : memref<100000x16xf32, #tpu.memory_space<hbm>>) dst(%dma_wait3A_194 : memref<128x16xf32, #tpu.memory_space<vmem>>)
    %dma_wait3A_201 = arith.constant 1 : i32
    %dma_wait3A_202 = arith.constant 128 : i32
    %dma_wait3A_203 = tpu.memref_slice %arg14[%dma_wait3A_202] : memref<512xf32, #tpu.memory_space<vmem>> -> memref<128xf32, #tpu.memory_space<vmem>>
    %dma_wait3A_204 = arith.constant 0 : i32
    %dma_wait3A_205 = tpu.memref_slice %arg10[%dma_wait3A_201, %dma_wait3A_204] : memref<4x128xi32, #tpu.memory_space<vmem>> -> memref<1x128xi32, #tpu.memory_space<vmem>>
    %dma_wait3A_206 = tpu.memref_squeeze %dma_wait3A_205 : memref<1x128xi32, #tpu.memory_space<vmem>> -> memref<128xi32, #tpu.memory_space<vmem>>
    %dma_wait3A_207 = arith.constant 0 : i32
    %dma_wait3A_208 = tpu.memref_slice %arg6[%dma_wait3A_207] : memref<1000000xf32, #tpu.memory_space<hbm>> -> memref<1000000xf32, #tpu.memory_space<hbm>>
    tpu.wait_indirect_dma semaphore(%arg18 : memref<!tpu.dma_semaphore, #tpu.memory_space<semaphore_mem>>) src(%dma_wait3A_208 : memref<1000000xf32, #tpu.memory_space<hbm>>) dst(%dma_wait3A_203 : memref<128xf32, #tpu.memory_space<vmem>>)
    %dma_wait3A_209 = arith.constant 1 : i32
    %dma_wait3A_210 = arith.constant 128 : i32
    %dma_wait3A_211 = tpu.memref_slice %arg15[%dma_wait3A_210] : memref<512xf32, #tpu.memory_space<vmem>> -> memref<128xf32, #tpu.memory_space<vmem>>
    %dma_wait3A_212 = arith.constant 0 : i32
    %dma_wait3A_213 = tpu.memref_slice %arg11[%dma_wait3A_209, %dma_wait3A_212] : memref<4x128xi32, #tpu.memory_space<vmem>> -> memref<1x128xi32, #tpu.memory_space<vmem>>
    %dma_wait3A_214 = tpu.memref_squeeze %dma_wait3A_213 : memref<1x128xi32, #tpu.memory_space<vmem>> -> memref<128xi32, #tpu.memory_space<vmem>>
    %dma_wait3A_215 = arith.constant 0 : i32
    %dma_wait3A_216 = tpu.memref_slice %arg7[%dma_wait3A_215] : memref<100000xf32, #tpu.memory_space<hbm>> -> memref<100000xf32, #tpu.memory_space<hbm>>
    tpu.wait_indirect_dma semaphore(%arg18 : memref<!tpu.dma_semaphore, #tpu.memory_space<semaphore_mem>>) src(%dma_wait3A_216 : memref<100000xf32, #tpu.memory_space<hbm>>) dst(%dma_wait3A_211 : memref<128xf32, #tpu.memory_space<vmem>>)
    %dma_wait3A_217 = arith.constant 2 : i32
    %dma_wait3A_218 = arith.constant 256 : i32
    %dma_wait3A_219 = arith.constant 0 : i32
    %dma_wait3A_220 = tpu.memref_slice %arg12[%dma_wait3A_218, %dma_wait3A_219] : memref<512x16xf32, #tpu.memory_space<vmem>> -> memref<128x16xf32, #tpu.memory_space<vmem>>
    %dma_wait3A_221 = arith.constant 0 : i32
    %dma_wait3A_222 = tpu.memref_slice %arg10[%dma_wait3A_217, %dma_wait3A_221] : memref<4x128xi32, #tpu.memory_space<vmem>> -> memref<1x128xi32, #tpu.memory_space<vmem>>
    %dma_wait3A_223 = tpu.memref_squeeze %dma_wait3A_222 : memref<1x128xi32, #tpu.memory_space<vmem>> -> memref<128xi32, #tpu.memory_space<vmem>>
    %dma_wait3A_224 = arith.constant 0 : i32
    %dma_wait3A_225 = arith.constant 0 : i32
    %dma_wait3A_226 = tpu.memref_slice %arg4[%dma_wait3A_224, %dma_wait3A_225] : memref<1000000x16xf32, #tpu.memory_space<hbm>> -> memref<1000000x16xf32, #tpu.memory_space<hbm>>
    tpu.wait_indirect_dma semaphore(%arg18 : memref<!tpu.dma_semaphore, #tpu.memory_space<semaphore_mem>>) src(%dma_wait3A_226 : memref<1000000x16xf32, #tpu.memory_space<hbm>>) dst(%dma_wait3A_220 : memref<128x16xf32, #tpu.memory_space<vmem>>)
    %dma_wait3A_227 = arith.constant 2 : i32
    %dma_wait3A_228 = arith.constant 256 : i32
    %dma_wait3A_229 = arith.constant 0 : i32
    %dma_wait3A_230 = tpu.memref_slice %arg13[%dma_wait3A_228, %dma_wait3A_229] : memref<512x16xf32, #tpu.memory_space<vmem>> -> memref<128x16xf32, #tpu.memory_space<vmem>>
    %dma_wait3A_231 = arith.constant 0 : i32
    %dma_wait3A_232 = tpu.memref_slice %arg11[%dma_wait3A_227, %dma_wait3A_231] : memref<4x128xi32, #tpu.memory_space<vmem>> -> memref<1x128xi32, #tpu.memory_space<vmem>>
    %dma_wait3A_233 = tpu.memref_squeeze %dma_wait3A_232 : memref<1x128xi32, #tpu.memory_space<vmem>> -> memref<128xi32, #tpu.memory_space<vmem>>
    %dma_wait3A_234 = arith.constant 0 : i32
    %dma_wait3A_235 = arith.constant 0 : i32
    %dma_wait3A_236 = tpu.memref_slice %arg5[%dma_wait3A_234, %dma_wait3A_235] : memref<100000x16xf32, #tpu.memory_space<hbm>> -> memref<100000x16xf32, #tpu.memory_space<hbm>>
    tpu.wait_indirect_dma semaphore(%arg18 : memref<!tpu.dma_semaphore, #tpu.memory_space<semaphore_mem>>) src(%dma_wait3A_236 : memref<100000x16xf32, #tpu.memory_space<hbm>>) dst(%dma_wait3A_230 : memref<128x16xf32, #tpu.memory_space<vmem>>)
    %dma_wait3A_237 = arith.constant 2 : i32
    %dma_wait3A_238 = arith.constant 256 : i32
    %dma_wait3A_239 = tpu.memref_slice %arg14[%dma_wait3A_238] : memref<512xf32, #tpu.memory_space<vmem>> -> memref<128xf32, #tpu.memory_space<vmem>>
    %dma_wait3A_240 = arith.constant 0 : i32
    %dma_wait3A_241 = tpu.memref_slice %arg10[%dma_wait3A_237, %dma_wait3A_240] : memref<4x128xi32, #tpu.memory_space<vmem>> -> memref<1x128xi32, #tpu.memory_space<vmem>>
    %dma_wait3A_242 = tpu.memref_squeeze %dma_wait3A_241 : memref<1x128xi32, #tpu.memory_space<vmem>> -> memref<128xi32, #tpu.memory_space<vmem>>
    %dma_wait3A_243 = arith.constant 0 : i32
    %dma_wait3A_244 = tpu.memref_slice %arg6[%dma_wait3A_243] : memref<1000000xf32, #tpu.memory_space<hbm>> -> memref<1000000xf32, #tpu.memory_space<hbm>>
    tpu.wait_indirect_dma semaphore(%arg18 : memref<!tpu.dma_semaphore, #tpu.memory_space<semaphore_mem>>) src(%dma_wait3A_244 : memref<1000000xf32, #tpu.memory_space<hbm>>) dst(%dma_wait3A_239 : memref<128xf32, #tpu.memory_space<vmem>>)
    %dma_wait3A_245 = arith.constant 2 : i32
    %dma_wait3A_246 = arith.constant 256 : i32
    %dma_wait3A_247 = tpu.memref_slice %arg15[%dma_wait3A_246] : memref<512xf32, #tpu.memory_space<vmem>> -> memref<128xf32, #tpu.memory_space<vmem>>
    %dma_wait3A_248 = arith.constant 0 : i32
    %dma_wait3A_249 = tpu.memref_slice %arg11[%dma_wait3A_245, %dma_wait3A_248] : memref<4x128xi32, #tpu.memory_space<vmem>> -> memref<1x128xi32, #tpu.memory_space<vmem>>
    %dma_wait3A_250 = tpu.memref_squeeze %dma_wait3A_249 : memref<1x128xi32, #tpu.memory_space<vmem>> -> memref<128xi32, #tpu.memory_space<vmem>>
    %dma_wait3A_251 = arith.constant 0 : i32
    %dma_wait3A_252 = tpu.memref_slice %arg7[%dma_wait3A_251] : memref<100000xf32, #tpu.memory_space<hbm>> -> memref<100000xf32, #tpu.memory_space<hbm>>
    tpu.wait_indirect_dma semaphore(%arg18 : memref<!tpu.dma_semaphore, #tpu.memory_space<semaphore_mem>>) src(%dma_wait3A_252 : memref<100000xf32, #tpu.memory_space<hbm>>) dst(%dma_wait3A_247 : memref<128xf32, #tpu.memory_space<vmem>>)
    %dma_wait3A_253 = arith.constant 3 : i32
    %dma_wait3A_254 = arith.constant 384 : i32
    %dma_wait3A_255 = arith.constant 0 : i32
    %dma_wait3A_256 = tpu.memref_slice %arg12[%dma_wait3A_254, %dma_wait3A_255] : memref<512x16xf32, #tpu.memory_space<vmem>> -> memref<128x16xf32, #tpu.memory_space<vmem>>
    %dma_wait3A_257 = arith.constant 0 : i32
    %dma_wait3A_258 = tpu.memref_slice %arg10[%dma_wait3A_253, %dma_wait3A_257] : memref<4x128xi32, #tpu.memory_space<vmem>> -> memref<1x128xi32, #tpu.memory_space<vmem>>
    %dma_wait3A_259 = tpu.memref_squeeze %dma_wait3A_258 : memref<1x128xi32, #tpu.memory_space<vmem>> -> memref<128xi32, #tpu.memory_space<vmem>>
    %dma_wait3A_260 = arith.constant 0 : i32
    %dma_wait3A_261 = arith.constant 0 : i32
    %dma_wait3A_262 = tpu.memref_slice %arg4[%dma_wait3A_260, %dma_wait3A_261] : memref<1000000x16xf32, #tpu.memory_space<hbm>> -> memref<1000000x16xf32, #tpu.memory_space<hbm>>
    tpu.wait_indirect_dma semaphore(%arg18 : memref<!tpu.dma_semaphore, #tpu.memory_space<semaphore_mem>>) src(%dma_wait3A_262 : memref<1000000x16xf32, #tpu.memory_space<hbm>>) dst(%dma_wait3A_256 : memref<128x16xf32, #tpu.memory_space<vmem>>)
    %dma_wait3A_263 = arith.constant 3 : i32
    %dma_wait3A_264 = arith.constant 384 : i32
    %dma_wait3A_265 = arith.constant 0 : i32
    %dma_wait3A_266 = tpu.memref_slice %arg13[%dma_wait3A_264, %dma_wait3A_265] : memref<512x16xf32, #tpu.memory_space<vmem>> -> memref<128x16xf32, #tpu.memory_space<vmem>>
    %dma_wait3A_267 = arith.constant 0 : i32
    %dma_wait3A_268 = tpu.memref_slice %arg11[%dma_wait3A_263, %dma_wait3A_267] : memref<4x128xi32, #tpu.memory_space<vmem>> -> memref<1x128xi32, #tpu.memory_space<vmem>>
    %dma_wait3A_269 = tpu.memref_squeeze %dma_wait3A_268 : memref<1x128xi32, #tpu.memory_space<vmem>> -> memref<128xi32, #tpu.memory_space<vmem>>
    %dma_wait3A_270 = arith.constant 0 : i32
    %dma_wait3A_271 = arith.constant 0 : i32
    %dma_wait3A_272 = tpu.memref_slice %arg5[%dma_wait3A_270, %dma_wait3A_271] : memref<100000x16xf32, #tpu.memory_space<hbm>> -> memref<100000x16xf32, #tpu.memory_space<hbm>>
    tpu.wait_indirect_dma semaphore(%arg18 : memref<!tpu.dma_semaphore, #tpu.memory_space<semaphore_mem>>) src(%dma_wait3A_272 : memref<100000x16xf32, #tpu.memory_space<hbm>>) dst(%dma_wait3A_266 : memref<128x16xf32, #tpu.memory_space<vmem>>)
    %dma_wait3A_273 = arith.constant 3 : i32
    %dma_wait3A_274 = arith.constant 384 : i32
    %dma_wait3A_275 = tpu.memref_slice %arg14[%dma_wait3A_274] : memref<512xf32, #tpu.memory_space<vmem>> -> memref<128xf32, #tpu.memory_space<vmem>>
    %dma_wait3A_276 = arith.constant 0 : i32
    %dma_wait3A_277 = tpu.memref_slice %arg10[%dma_wait3A_273, %dma_wait3A_276] : memref<4x128xi32, #tpu.memory_space<vmem>> -> memref<1x128xi32, #tpu.memory_space<vmem>>
    %dma_wait3A_278 = tpu.memref_squeeze %dma_wait3A_277 : memref<1x128xi32, #tpu.memory_space<vmem>> -> memref<128xi32, #tpu.memory_space<vmem>>
    %dma_wait3A_279 = arith.constant 0 : i32
    %dma_wait3A_280 = tpu.memref_slice %arg6[%dma_wait3A_279] : memref<1000000xf32, #tpu.memory_space<hbm>> -> memref<1000000xf32, #tpu.memory_space<hbm>>
    tpu.wait_indirect_dma semaphore(%arg18 : memref<!tpu.dma_semaphore, #tpu.memory_space<semaphore_mem>>) src(%dma_wait3A_280 : memref<1000000xf32, #tpu.memory_space<hbm>>) dst(%dma_wait3A_275 : memref<128xf32, #tpu.memory_space<vmem>>)
    %dma_wait3A_281 = arith.constant 3 : i32
    %dma_wait3A_282 = arith.constant 384 : i32
    %dma_wait3A_283 = tpu.memref_slice %arg15[%dma_wait3A_282] : memref<512xf32, #tpu.memory_space<vmem>> -> memref<128xf32, #tpu.memory_space<vmem>>
    %dma_wait3A_284 = arith.constant 0 : i32
    %dma_wait3A_285 = tpu.memref_slice %arg11[%dma_wait3A_281, %dma_wait3A_284] : memref<4x128xi32, #tpu.memory_space<vmem>> -> memref<1x128xi32, #tpu.memory_space<vmem>>
    %dma_wait3A_286 = tpu.memref_squeeze %dma_wait3A_285 : memref<1x128xi32, #tpu.memory_space<vmem>> -> memref<128xi32, #tpu.memory_space<vmem>>
    %dma_wait3A_287 = arith.constant 0 : i32
    %dma_wait3A_288 = tpu.memref_slice %arg7[%dma_wait3A_287] : memref<100000xf32, #tpu.memory_space<hbm>> -> memref<100000xf32, #tpu.memory_space<hbm>>
    tpu.wait_indirect_dma semaphore(%arg18 : memref<!tpu.dma_semaphore, #tpu.memory_space<semaphore_mem>>) src(%dma_wait3A_288 : memref<100000xf32, #tpu.memory_space<hbm>>) dst(%dma_wait3A_283 : memref<128xf32, #tpu.memory_space<vmem>>)
    %get3A = arith.constant 0 : index
    %get3A_289 = tpu.vector_load %arg16[%get3A] {strides = array<i32>} : memref<16xf32, #tpu.memory_space<vmem>>, vector<16xf32>,
    %scan3A = arith.constant 0 : i32
    %scan3A_290 = arith.constant 0 : i32
    %scan3A_291 = arith.constant 32 : i32
    %scan3A_292 = arith.addi %scan3A_290, %scan3A_291 : i32
    %scan3A_293 = arith.constant 1 : i32
    scf.for %scan3A_295 = %scan3A_290 to %scan3A_292 step %scan3A_293  : i32 {
      %iota3A = tpu.iota {dimensions = array<i32: 0>} : vector<16xi32>
      %mul3A_296 = arith.constant 16 : i32
      %mul3A_297 = arith.muli %scan3A_295, %mul3A_296 : i32
      %add3A_298 = vector.broadcast %mul3A_297 : i32 to vector<16xi32>
      %add3A_299 = arith.addi %iota3A, %add3A_298 : vector<16xi32>
      %broadcast_in_dim3A = arith.constant 0 : i32
      %broadcast_in_dim3A_300 = vector.broadcast %broadcast_in_dim3A : i32 to vector<16xi32>
      %gather3A = tpu.vector_load_idx %arg12[%add3A_299, %broadcast_in_dim3A_300] : memref<512x16xf32, #tpu.memory_space<vmem>>[vector<16xi32>, vector<16xi32>], vector<16xf32>,
      %gather3A_301 = tpu.vector_load_idx %arg13[%add3A_299, %broadcast_in_dim3A_300] : memref<512x16xf32, #tpu.memory_space<vmem>>[vector<16xi32>, vector<16xi32>], vector<16xf32>,
      %mul3A_302 = arith.mulf %gather3A, %gather3A_301 : vector<16xf32>
      %add3A_303 = arith.addf %get3A_289, %mul3A_302 : vector<16xf32>
      %broadcast_in_dim3A_304 = arith.constant 1 : i32
      %broadcast_in_dim3A_305 = vector.broadcast %broadcast_in_dim3A_304 : i32 to vector<16xi32>
      %gather3A_306 = tpu.vector_load_idx %arg12[%add3A_299, %broadcast_in_dim3A_305] : memref<512x16xf32, #tpu.memory_space<vmem>>[vector<16xi32>, vector<16xi32>], vector<16xf32>,
      %gather3A_307 = tpu.vector_load_idx %arg13[%add3A_299, %broadcast_in_dim3A_305] : memref<512x16xf32, #tpu.memory_space<vmem>>[vector<16xi32>, vector<16xi32>], vector<16xf32>,
      %mul3A_308 = arith.mulf %gather3A_306, %gather3A_307 : vector<16xf32>
      %add3A_309 = arith.addf %add3A_303, %mul3A_308 : vector<16xf32>
      %broadcast_in_dim3A_310 = arith.constant 2 : i32
      %broadcast_in_dim3A_311 = vector.broadcast %broadcast_in_dim3A_310 : i32 to vector<16xi32>
      %gather3A_312 = tpu.vector_load_idx %arg12[%add3A_299, %broadcast_in_dim3A_311] : memref<512x16xf32, #tpu.memory_space<vmem>>[vector<16xi32>, vector<16xi32>], vector<16xf32>,
      %gather3A_313 = tpu.vector_load_idx %arg13[%add3A_299, %broadcast_in_dim3A_311] : memref<512x16xf32, #tpu.memory_space<vmem>>[vector<16xi32>, vector<16xi32>], vector<16xf32>,
      %mul3A_314 = arith.mulf %gather3A_312, %gather3A_313 : vector<16xf32>
      %add3A_315 = arith.addf %add3A_309, %mul3A_314 : vector<16xf32>
      %broadcast_in_dim3A_316 = arith.constant 3 : i32
      %broadcast_in_dim3A_317 = vector.broadcast %broadcast_in_dim3A_316 : i32 to vector<16xi32>
      %gather3A_318 = tpu.vector_load_idx %arg12[%add3A_299, %broadcast_in_dim3A_317] : memref<512x16xf32, #tpu.memory_space<vmem>>[vector<16xi32>, vector<16xi32>], vector<16xf32>,
      %gather3A_319 = tpu.vector_load_idx %arg13[%add3A_299, %broadcast_in_dim3A_317] : memref<512x16xf32, #tpu.memory_space<vmem>>[vector<16xi32>, vector<16xi32>], vector<16xf32>,
      %mul3A_320 = arith.mulf %gather3A_318, %gather3A_319 : vector<16xf32>
      %add3A_321 = arith.addf %add3A_315, %mul3A_320 : vector<16xf32>
      %broadcast_in_dim3A_322 = arith.constant 4 : i32
      %broadcast_in_dim3A_323 = vector.broadcast %broadcast_in_dim3A_322 : i32 to vector<16xi32>
      %gather3A_324 = tpu.vector_load_idx %arg12[%add3A_299, %broadcast_in_dim3A_323] : memref<512x16xf32, #tpu.memory_space<vmem>>[vector<16xi32>, vector<16xi32>], vector<16xf32>,
      %gather3A_325 = tpu.vector_load_idx %arg13[%add3A_299, %broadcast_in_dim3A_323] : memref<512x16xf32, #tpu.memory_space<vmem>>[vector<16xi32>, vector<16xi32>], vector<16xf32>,
      %mul3A_326 = arith.mulf %gather3A_324, %gather3A_325 : vector<16xf32>
      %add3A_327 = arith.addf %add3A_321, %mul3A_326 : vector<16xf32>
      %broadcast_in_dim3A_328 = arith.constant 5 : i32
      %broadcast_in_dim3A_329 = vector.broadcast %broadcast_in_dim3A_328 : i32 to vector<16xi32>
      %gather3A_330 = tpu.vector_load_idx %arg12[%add3A_299, %broadcast_in_dim3A_329] : memref<512x16xf32, #tpu.memory_space<vmem>>[vector<16xi32>, vector<16xi32>], vector<16xf32>,
      %gather3A_331 = tpu.vector_load_idx %arg13[%add3A_299, %broadcast_in_dim3A_329] : memref<512x16xf32, #tpu.memory_space<vmem>>[vector<16xi32>, vector<16xi32>], vector<16xf32>,
      %mul3A_332 = arith.mulf %gather3A_330, %gather3A_331 : vector<16xf32>
      %add3A_333 = arith.addf %add3A_327, %mul3A_332 : vector<16xf32>
      %broadcast_in_dim3A_334 = arith.constant 6 : i32
      %broadcast_in_dim3A_335 = vector.broadcast %broadcast_in_dim3A_334 : i32 to vector<16xi32>
      %gather3A_336 = tpu.vector_load_idx %arg12[%add3A_299, %broadcast_in_dim3A_335] : memref<512x16xf32, #tpu.memory_space<vmem>>[vector<16xi32>, vector<16xi32>], vector<16xf32>,
      %gather3A_337 = tpu.vector_load_idx %arg13[%add3A_299, %broadcast_in_dim3A_335] : memref<512x16xf32, #tpu.memory_space<vmem>>[vector<16xi32>, vector<16xi32>], vector<16xf32>,
      %mul3A_338 = arith.mulf %gather3A_336, %gather3A_337 : vector<16xf32>
      %add3A_339 = arith.addf %add3A_333, %mul3A_338 : vector<16xf32>
      %broadcast_in_dim3A_340 = arith.constant 7 : i32
      %broadcast_in_dim3A_341 = vector.broadcast %broadcast_in_dim3A_340 : i32 to vector<16xi32>
      %gather3A_342 = tpu.vector_load_idx %arg12[%add3A_299, %broadcast_in_dim3A_341] : memref<512x16xf32, #tpu.memory_space<vmem>>[vector<16xi32>, vector<16xi32>], vector<16xf32>,
      %gather3A_343 = tpu.vector_load_idx %arg13[%add3A_299, %broadcast_in_dim3A_341] : memref<512x16xf32, #tpu.memory_space<vmem>>[vector<16xi32>, vector<16xi32>], vector<16xf32>,
      %mul3A_344 = arith.mulf %gather3A_342, %gather3A_343 : vector<16xf32>
      %add3A_345 = arith.addf %add3A_339, %mul3A_344 : vector<16xf32>
      %broadcast_in_dim3A_346 = arith.constant 8 : i32
      %broadcast_in_dim3A_347 = vector.broadcast %broadcast_in_dim3A_346 : i32 to vector<16xi32>
      %gather3A_348 = tpu.vector_load_idx %arg12[%add3A_299, %broadcast_in_dim3A_347] : memref<512x16xf32, #tpu.memory_space<vmem>>[vector<16xi32>, vector<16xi32>], vector<16xf32>,
      %gather3A_349 = tpu.vector_load_idx %arg13[%add3A_299, %broadcast_in_dim3A_347] : memref<512x16xf32, #tpu.memory_space<vmem>>[vector<16xi32>, vector<16xi32>], vector<16xf32>,
      %mul3A_350 = arith.mulf %gather3A_348, %gather3A_349 : vector<16xf32>
      %add3A_351 = arith.addf %add3A_345, %mul3A_350 : vector<16xf32>
      %broadcast_in_dim3A_352 = arith.constant 9 : i32
      %broadcast_in_dim3A_353 = vector.broadcast %broadcast_in_dim3A_352 : i32 to vector<16xi32>
      %gather3A_354 = tpu.vector_load_idx %arg12[%add3A_299, %broadcast_in_dim3A_353] : memref<512x16xf32, #tpu.memory_space<vmem>>[vector<16xi32>, vector<16xi32>], vector<16xf32>,
      %gather3A_355 = tpu.vector_load_idx %arg13[%add3A_299, %broadcast_in_dim3A_353] : memref<512x16xf32, #tpu.memory_space<vmem>>[vector<16xi32>, vector<16xi32>], vector<16xf32>,
      %mul3A_356 = arith.mulf %gather3A_354, %gather3A_355 : vector<16xf32>
      %add3A_357 = arith.addf %add3A_351, %mul3A_356 : vector<16xf32>
      %broadcast_in_dim3A_358 = arith.constant 10 : i32
      %broadcast_in_dim3A_359 = vector.broadcast %broadcast_in_dim3A_358 : i32 to vector<16xi32>
      %gather3A_360 = tpu.vector_load_idx %arg12[%add3A_299, %broadcast_in_dim3A_359] : memref<512x16xf32, #tpu.memory_space<vmem>>[vector<16xi32>, vector<16xi32>], vector<16xf32>,
      %gather3A_361 = tpu.vector_load_idx %arg13[%add3A_299, %broadcast_in_dim3A_359] : memref<512x16xf32, #tpu.memory_space<vmem>>[vector<16xi32>, vector<16xi32>], vector<16xf32>,
      %mul3A_362 = arith.mulf %gather3A_360, %gather3A_361 : vector<16xf32>
      %add3A_363 = arith.addf %add3A_357, %mul3A_362 : vector<16xf32>
      %broadcast_in_dim3A_364 = arith.constant 11 : i32
      %broadcast_in_dim3A_365 = vector.broadcast %broadcast_in_dim3A_364 : i32 to vector<16xi32>
      %gather3A_366 = tpu.vector_load_idx %arg12[%add3A_299, %broadcast_in_dim3A_365] : memref<512x16xf32, #tpu.memory_space<vmem>>[vector<16xi32>, vector<16xi32>], vector<16xf32>,
      %gather3A_367 = tpu.vector_load_idx %arg13[%add3A_299, %broadcast_in_dim3A_365] : memref<512x16xf32, #tpu.memory_space<vmem>>[vector<16xi32>, vector<16xi32>], vector<16xf32>,
      %mul3A_368 = arith.mulf %gather3A_366, %gather3A_367 : vector<16xf32>
      %add3A_369 = arith.addf %add3A_363, %mul3A_368 : vector<16xf32>
      %broadcast_in_dim3A_370 = arith.constant 12 : i32
      %broadcast_in_dim3A_371 = vector.broadcast %broadcast_in_dim3A_370 : i32 to vector<16xi32>
      %gather3A_372 = tpu.vector_load_idx %arg12[%add3A_299, %broadcast_in_dim3A_371] : memref<512x16xf32, #tpu.memory_space<vmem>>[vector<16xi32>, vector<16xi32>], vector<16xf32>,
      %gather3A_373 = tpu.vector_load_idx %arg13[%add3A_299, %broadcast_in_dim3A_371] : memref<512x16xf32, #tpu.memory_space<vmem>>[vector<16xi32>, vector<16xi32>], vector<16xf32>,
      %mul3A_374 = arith.mulf %gather3A_372, %gather3A_373 : vector<16xf32>
      %add3A_375 = arith.addf %add3A_369, %mul3A_374 : vector<16xf32>
      %broadcast_in_dim3A_376 = arith.constant 13 : i32
      %broadcast_in_dim3A_377 = vector.broadcast %broadcast_in_dim3A_376 : i32 to vector<16xi32>
      %gather3A_378 = tpu.vector_load_idx %arg12[%add3A_299, %broadcast_in_dim3A_377] : memref<512x16xf32, #tpu.memory_space<vmem>>[vector<16xi32>, vector<16xi32>], vector<16xf32>,
      %gather3A_379 = tpu.vector_load_idx %arg13[%add3A_299, %broadcast_in_dim3A_377] : memref<512x16xf32, #tpu.memory_space<vmem>>[vector<16xi32>, vector<16xi32>], vector<16xf32>,
      %mul3A_380 = arith.mulf %gather3A_378, %gather3A_379 : vector<16xf32>
      %add3A_381 = arith.addf %add3A_375, %mul3A_380 : vector<16xf32>
      %broadcast_in_dim3A_382 = arith.constant 14 : i32
      %broadcast_in_dim3A_383 = vector.broadcast %broadcast_in_dim3A_382 : i32 to vector<16xi32>
      %gather3A_384 = tpu.vector_load_idx %arg12[%add3A_299, %broadcast_in_dim3A_383] : memref<512x16xf32, #tpu.memory_space<vmem>>[vector<16xi32>, vector<16xi32>], vector<16xf32>,
      %gather3A_385 = tpu.vector_load_idx %arg13[%add3A_299, %broadcast_in_dim3A_383] : memref<512x16xf32, #tpu.memory_space<vmem>>[vector<16xi32>, vector<16xi32>], vector<16xf32>,
      %mul3A_386 = arith.mulf %gather3A_384, %gather3A_385 : vector<16xf32>
      %add3A_387 = arith.addf %add3A_381, %mul3A_386 : vector<16xf32>
      %broadcast_in_dim3A_388 = arith.constant 15 : i32
      %broadcast_in_dim3A_389 = vector.broadcast %broadcast_in_dim3A_388 : i32 to vector<16xi32>
      %gather3A_390 = tpu.vector_load_idx %arg12[%add3A_299, %broadcast_in_dim3A_389] : memref<512x16xf32, #tpu.memory_space<vmem>>[vector<16xi32>, vector<16xi32>], vector<16xf32>,
      %gather3A_391 = tpu.vector_load_idx %arg13[%add3A_299, %broadcast_in_dim3A_389] : memref<512x16xf32, #tpu.memory_space<vmem>>[vector<16xi32>, vector<16xi32>], vector<16xf32>,
      %mul3A_392 = arith.mulf %gather3A_390, %gather3A_391 : vector<16xf32>
      %add3A_393 = arith.addf %add3A_387, %mul3A_392 : vector<16xf32>
      %mul3A_394 = arith.constant 16 : i32
      %mul3A_395 = arith.muli %scan3A_295, %mul3A_394 : i32
      %get3A_396 = arith.index_cast %mul3A_395 : i32 to index
      %get3A_397 = tpu.vector_load %arg14[%get3A_396] {strides = array<i32>} : memref<512xf32, #tpu.memory_space<vmem>>, vector<16xf32>,
      %add3A_398 = arith.addf %add3A_393, %get3A_397 : vector<16xf32>
      %get3A_399 = arith.index_cast %mul3A_395 : i32 to index
      %get3A_400 = tpu.vector_load %arg15[%get3A_399] {strides = array<i32>} : memref<512xf32, #tpu.memory_space<vmem>>, vector<16xf32>,
      %add3A_401 = arith.addf %add3A_398, %get3A_400 : vector<16xf32>
      %swap3A = arith.index_cast %mul3A_395 : i32 to index
      %swap3A_402 = tpu.vector_load %arg17[%swap3A] {strides = array<i32>} : memref<512xf32, #tpu.memory_space<vmem>>, vector<16xf32>,
      tpu.vector_store %arg17[%swap3A], %add3A_401 {strides = array<i32>} : memref<512xf32, #tpu.memory_space<vmem>>, vector<16xf32>,
    }
    %scan3A_294 = arith.constant 32 : i32
    "tpu.region"() ({
      %run_scoped3A = tpu.sem_alloc : memref<!tpu.dma_semaphore, #tpu.memory_space<semaphore_mem>>
      %dma_start3A_295 = tpu.memref_slice %arg9[%mul3A_2] : memref<16384xf32, #tpu.memory_space<hbm>> -> memref<512xf32, #tpu.memory_space<hbm>>
      %dma_start3A_296 = tpu.memref_slice %arg9[%mul3A_2] : memref<16384xf32, #tpu.memory_space<hbm>> -> memref<512xf32, #tpu.memory_space<hbm>>
      tpu.enqueue_dma source(%arg17 : memref<512xf32, #tpu.memory_space<vmem>>) target(%dma_start3A_296 : memref<512xf32, #tpu.memory_space<hbm>>) target_semaphore(%run_scoped3A : memref<!tpu.dma_semaphore, #tpu.memory_space<semaphore_mem>>)
      %dma_wait3A_297 = tpu.memref_slice %arg9[%mul3A_2] : memref<16384xf32, #tpu.memory_space<hbm>> -> memref<512xf32, #tpu.memory_space<hbm>>
      %dma_wait3A_298 = tpu.memref_slice %arg9[%mul3A_2] : memref<16384xf32, #tpu.memory_space<hbm>> -> memref<512xf32, #tpu.memory_space<hbm>>
      tpu.wait_dma2 semaphore(%run_scoped3A : memref<!tpu.dma_semaphore, #tpu.memory_space<semaphore_mem>>) src(%arg17 : memref<512xf32, #tpu.memory_space<vmem>>) dst(%dma_wait3A_298 : memref<512xf32, #tpu.memory_space<hbm>>)
      tpu.yield
    }) : () -> ()
    return
  }
}

</mosaic_0001>

<sc_bundles>
// kernel: kernel.3.cloned.1.call-start
scs
__scs_entry_jumppad:
0x0: {  	(pc) =	sbr.rel $0x88, $3  }
0x1: {  	(tag) =	ssettag $0x0;
	lr =	simm.s32 $0x1  }
0x2: {  	[smem:$0x3F9A] =	sst lr;
	_ =	strace $0xD0000000  }
0x3: {  	_ = 	snop  }
0x4: {  	_ = 	snop  }
0x5: {  	_ = 	snop  }
0x6: {  	_ = 	snop  }
0x7: {  	_ = 	snop  }
__scs_overlays_trampoline_lowered:
0x8: {  	[smem:$0x3FA9] =	sst s0  }
0x9: {  	[smem:$0x3FAA] =	sst s1  }
0xa: {  	[smem:$0x3FAB] =	sst s2  }
0xb: {  	[smem:$0x3FAC] =	sst s3  }
0xc: {  	[smem:$0x3FAD] =	sst s4  }
0xd: {  	[smem:$0x3FAE] =	sst s5  }
0xe: {  	[smem:$0x3FAF] =	sst s6  }
0xf: {  	[smem:$0x3FB0] =	sst s7  }
0x10: {  	[smem:$0x3FB1] =	sst s8  }
0x11: {  	[smem:$0x3FB2] =	sst s9;
	s0 =	simm.s32 @!p0 $0x0  }
0x12: {  	s1 =	sld [smem:$0x3F98];
	s0 =	simm.s32 @p0 $0x1  }
0x13: {  	[smem:$0x3FB3] =	sst s0;
	s0 =	simm.s32 @!p1 $0x0  }
0x14: {  	s2 =	sld [smem:$0x3F97];
	s0 =	simm.s32 @p1 $0x1  }
0x15: {  	[smem:$0x3FB4] =	sst s0;
	s0 =	simm.s32 @!p2 $0x0  }
0x16: {  	s3 =	sld [smem:$0x3FDB];
	s0 =	simm.s32 @p2 $0x1  }
0x17: {  	s4 =	simm.s32 $0x1BF5;
	[smem:$0x3FB6] =	sst s0  }
0x18: {  	s0 =	sld [smem:$0x3F99];
	_ =	swait.ge [sflag:s4], $0x0  }
0x19: {  	s7 =	sld [smem:$0x3F9A]  }
0x1a: {  	s8 =	sadd.s32 $0xFFFFE003, lr  }
0x1b: {  	s9 =	sadd.s32 $0xFFFFFEF7, lr;
	s5 =	simm.s32 $0xFFFFFFFF;
	p2 =	slt.u32 s8, $0xFFFFF086  }
0x1c: {  	p1 =	slt.u32 s9, $0xF7A;
	s5 =	simm.s32 @!p2 $0x0  }
0x1d: {  	s5 =	simm.s32 @p1 $0x1;
	p0 =	seq.s32 s7, s2  }
0x1e: {  	s7 =	smul.u32 @!p0 $0xF7A, s2;
	p2 =	seq.s32 @!p0 s5, $0x0  }
0x1f: {  	s9 =	smul.u32 $0xF7A, s1;
	s8 =	simm.s32 @!p0 $0x1BF5;
	p2 =	por !p2, p0  }
0x20: {  	[sflag:s8] =	ssyncset.s32 @!p0 $0xFFFFF086;
	s6 =	sadd.s32 @!p0 s3, s7;
	s7 =	simm.s32 @!p0 $0x108  }
0x21: {  	s3 =	sadd.s32 s3, s9;
	s6 =	sadd.s32 @!p0 $0x88, s6;
	s7 =	simm.s32 @p2 $0x1082  }
0x22: {  	[simem:s7], [sflag:s8] =	dma.local @!p0 [hbm:s6], $0xF7A  }
0x23: {  	s9 =	sor.u32 $0xD0000000, s2;
	s6 =	simm.s32 $0x108;
	_ =	swait.ge @!p0 [sflag:s8], $0x0  }
0x24: {  	s3 =	sadd.s32 $0x88, s3;
	s6 =	simm.s32 @!p1 $0x1082;
	[sflag:s4] =	ssyncset.s32 $0xFFFFF086  }
0x25: {  	[simem:s6], [sflag:s4] =	dma.local [hbm:s3], $0xF7A  }
0x26: {  	[smem:$0x3F9A] =	sst s1;
	(tag) =	ssettag s2;
	_ =	strace s9  }
0x27: {  	s1 =	sld [smem:$0x3FAA]  }
0x28: {  	s2 =	sld [smem:$0x3FAB]  }
0x29: {  	s4 =	sld [smem:$0x3FAD]  }
0x2a: {  	p0 =	seq.s32 s5, $0x0;
	s5 =	sld [smem:$0x3FAE]  }
0x2b: {  	s6 =	sld [smem:$0x3FAF]  }
0x2c: {  	s7 =	sld [smem:$0x3FB0]  }
0x2d: {  	s3 =	simm.s32 $0x108;
	s8 =	sld [smem:$0x3FB1]  }
0x2e: {  	s3 =	simm.s32 @!p0 $0x1082;
	s9 =	sld [smem:$0x3FB2]  }
0x2f: {  	lr =	sadd.s32 s0, s3;
	s0 =	sld [smem:$0x3FA9]  }
0x30: {  	s3 =	sld [smem:$0x3FAC]  }
0x31: {  	[smem:$0x3FB5] =	sst s10  }
0x32: {  	s10 =	sld [smem:$0x3FB3];
	_ =	sdelay $0x3  }
0x33: {  	p0 =	seq.s32 s10, $0x1;
	s10 =	sld [smem:$0x3FB5];
	_ =	sdelay $0x3  }
0x34: {  	[smem:$0x3FB5] =	sst s10  }
0x35: {  	s10 =	sld [smem:$0x3FB4];
	_ =	sdelay $0x3  }
0x36: {  	p1 =	seq.s32 s10, $0x1;
	s10 =	sld [smem:$0x3FB5];
	_ =	sdelay $0x3  }
0x37: {  	[smem:$0x3FB5] =	sst s10  }
0x38: {  	s10 =	sld [smem:$0x3FB6]  }
0x39: {  	_ = 	snop;
	(pc) =	sbr.ind lr, $3  }
0x3a: {  	_ = 	snop  }
0x3b: {  	_ = 	snop  }
0x3c: {  	p2 =	seq.s32 s10, $0x1;
	s10 =	sld [smem:$0x3FB5]  }
0x3d: {  	_ =	shalt  }
0x3e: {  	_ =	shalt  }
0x3f: {  	_ =	shalt  }
0x40: {  	_ =	shalt  }
0x41: {  	_ =	shalt  }
0x42: {  	_ =	shalt  }
0x43: {  	_ =	shalt  }
0x44: {  	_ =	shalt  }
0x45: {  	_ =	shalt  }
0x46: {  	_ =	shalt  }
0x47: {  	_ =	shalt  }
0x48: {  	_ =	shalt  }
0x49: {  	_ =	shalt  }
0x4a: {  	_ =	shalt  }
0x4b: {  	_ =	shalt  }
0x4c: {  	_ =	shalt  }
0x4d: {  	_ =	shalt  }
0x4e: {  	_ =	shalt  }
0x4f: {  	_ =	shalt  }
0x50: {  	_ =	shalt  }
0x51: {  	_ =	shalt  }
0x52: {  	_ =	shalt  }
0x53: {  	_ =	shalt  }
0x54: {  	_ =	shalt  }
0x55: {  	_ =	shalt  }
0x56: {  	_ =	shalt  }
0x57: {  	_ =	shalt  }
0x58: {  	_ =	shalt  }
0x59: {  	_ =	shalt  }
0x5a: {  	_ =	shalt  }
0x5b: {  	_ =	shalt  }
0x5c: {  	_ =	shalt  }
0x5d: {  	_ =	shalt  }
0x5e: {  	_ =	shalt  }
0x5f: {  	_ =	shalt  }
0x60: {  	_ =	shalt  }
0x61: {  	_ =	shalt  }
0x62: {  	_ =	shalt  }
0x63: {  	_ =	shalt  }
0x64: {  	_ =	shalt  }
0x65: {  	_ =	shalt  }
0x66: {  	_ =	shalt  }
0x67: {  	_ =	shalt  }
0x68: {  	_ =	shalt  }
0x69: {  	_ =	shalt  }
0x6a: {  	_ =	shalt  }
0x6b: {  	_ =	shalt  }
0x6c: {  	_ =	shalt  }
0x6d: {  	_ =	shalt  }
0x6e: {  	_ =	shalt  }
0x6f: {  	_ =	shalt  }
0x70: {  	_ =	shalt  }
0x71: {  	_ =	shalt  }
0x72: {  	_ =	shalt  }
0x73: {  	_ =	shalt  }
0x74: {  	_ =	shalt  }
0x75: {  	_ =	shalt  }
0x76: {  	_ =	shalt  }
0x77: {  	_ =	shalt  }
0x78: {  	_ =	shalt  }
0x79: {  	_ =	shalt  }
0x7a: {  	_ =	shalt  }
0x7b: {  	_ =	shalt  }
0x7c: {  	_ =	shalt  }
0x7d: {  	_ =	shalt  }
0x7e: {  	_ =	shalt  }
0x7f: {  	_ =	shalt  }
0x80: {  	_ =	shalt  }
0x81: {  	_ =	shalt  }
0x82: {  	_ =	shalt  }
0x83: {  	_ =	shalt  }
0x84: {  	_ =	shalt  }
0x85: {  	_ =	shalt  }
0x86: {  	_ =	shalt  }
0x87: {  	_ =	shalt  }
.Lfunc_end0:
.L_simem_size_0:
called_computation_lowered:
.L_overlay_start_0:
0x88: {  	s2 =	sld [smem:$0x3FD9]  }
0x89: {  	s3 =	sld [smem:$0x3FFE];
	_ =	sdelay $0x1  }
0x8a: {  	s1 =	srdreg.scid  }
0x8b: {  	s0 =	sand.u32 $0x1, s1  }
0x8c: {  	s17 =	sshll.u32 s0, $0xA;
	s2 =	sadd.s32 s3, s2  }
0x8d: {  	s2 =	sadd.s32 s2, s17  }
0x8e: {  	[smem:$0x3FC1] =	sst s2  }
0x8f: {  	_ = 	snop  }
0x90: {  	s2 =	sld [smem:$0x3FC9]  }
0x91: {  	s18 =	sld [smem:$0x3FC8]  }
0x92: {  	s4 =	sld [smem:$0x3FD0];
	(tm) =	ssettm $0x1  }
0x93: {  	s5 =	sld [smem:$0x3FFB];
	_ =	sdelay $0x3  }
0x94: {  	_ =	strace s5  }
0x95: {  	s5 =	sld [smem:$0x3FFC];
	_ =	sdelay $0x3  }
0x96: {  	_ =	strace s5  }
0x97: {  	s5 =	sld [smem:$0x3FFD];
	_ =	sdelay $0x3  }
0x98: {  	_ =	strace s5  }
0x99: {  	_ =	strace $0x8FFFFFFF  }
0x9a: {  	s19 =	sld [smem:$0x3FDB];
	_ =	sdelay $0x1  }
0x9b: {  	s6 =	simm.s32 $_scs_section_size  }
0x9c: {  	s7 =	simm.s32 $_size__tile_overlayer_lowered;
	s8 =	simm.s32 $_tile_overlayer_lowered  }
0x9d: {  	s22 =	simm.s32 $0x1BFF;
	s21 =	sshll.u32 s8, $0x1;
	s5 =	sadd.s32 s6, s19  }
0x9e: {  	s9 =	simm.s32 $0x0;
	s20 =	sshll.u32 s7, $0x1;
	s7 =	sadd.s32 s21, s5  }
0x9f: {  	[timem:s9], [sflag:s22] =	dma.local [hbm:s7], s20  }
0xa0: {  	_ =	swait.ge [sflag:s22], s20  }
0xa1: {  	s6 =	ssub.s32 $0x0, s20;
	[sflag:s22] =	ssyncset.done $0x0  }
0xa2: {  	[sflag:s22] =	ssyncadd.s32 s6;
	_ =	sdelay $0x1  }
0xa3: {  	s23 =	simm.s32 $0x1B8B  }
0xa4: {  	_ =	swait.ge [sflag:s23], $0x1  }
0xa5: {  	[sflag:s23] =	ssyncset.done $0x0  }
0xa6: {  	s25 =	simm.s32 $0x1B8E;
	s24 =	sld [smem:$0x3FFE];
	[sflag:s23] =	ssyncadd.s32 $0xFFFFFFFF  }
0xa7: {  	s26 =	simm.s32 $execute0_lowered;
	[smem:$0x3FD2] =	sst s25  }
0xa8: {  	s7 =	sshll.u32 s26, $0x1;
	_ =	strace $0x80000046;
	[dreg:$0x1] =	wrdreg $0xFFFFFFFF  }
0xa9: {  	s28 =	simm.s32 $_size_execute0_lowered;
	s5 =	sadd.s32 s5, s7;
	[dreg:$0x0] =	wrdreg $0x0  }
0xaa: {  	s7 =	sshll.u32 s28, $0x1;
	[dreg:$0x2] =	wrdreg s5  }
0xab: {  	[dreg:$0x3] =	wrdreg s7  }
0xac: {  	[dreg:$0x4] =	wrdreg $0xC0  }
0xad: {  	_ =	task [dreg:s9], $0x5FFFF  }
0xae: {  	[dreg:$0x1] =	wrdreg $0xFFFFFFFF  }
0xaf: {  	[dreg:$0x0] =	wrdreg $0x60  }
0xb0: {  	[dreg:$0x2] =	wrdreg s2  }
0xb1: {  	[dreg:$0x3] =	wrdreg s18  }
0xb2: {  	[dreg:$0x4] =	wrdreg s24  }
0xb3: {  	[dreg:$0x5] =	wrdreg s4  }
0xb4: {  	[dreg:$0x6] =	wrdreg $0x9  }
0xb5: {  	_ =	task.clear_ibuf [dreg:s9], $0x7FFFF;
	_ =	strace $0x90000046  }
0xb6: {  	s29 =	simm.s32 $0x9;
	_ =	strace $0x80000048  }
0xb7: {  	_ =	swait.ge [sflag:s29], $0x1  }
0xb8: {  	[sflag:s29] =	ssyncadd.s32 $0xFFFFFFFF  }
0xb9: {  	_ =	strace $0x90000048  }
0xba: {  	_ =	sfence  }
0xbb: {  	s30 =	sld [smem:$0x0];
	_ =	sdelay $0x2  }
0xbc: {  	s31 =	sshll.u32 s1, $0xD;
	s1 =	sshrl.u32 s1, $0x2  }
0xbd: {  	s3 =	sand.u32 $0x4000, s31;
	s1 =	sadd.s32 s1, s30  }
0xbe: {  	s0 =	sor.u32 s3, s0;
	s1 =	sshll.u32 s1, $0x11  }
0xbf: {  	s0 =	sor.u32 s1, s0  }
0xc0: {  	s0 =	sadd.s32 $0x8F2B, s0  }
0xc1: {  	[sflag:s0] =	ssyncadd.remote.s32 $0x1  }
0xc2: {  	_ =	sfence.sel $0xFFFF  }
0xc3: {  	[dreg:$0x0] =	wrdreg $0xFFFFFFFF;
	(pc) =	sbr.abs _section_cstart, $3  }
0xc4: {  	[dreg:$0x1] =	wrdreg $0xFFFFFFFF  }
0xc5: {  	_ =	task.clear_ibuf [dreg:s9], $0x2FFFF;
	_ =	strace $0x9FFFFFFF  }
0xc6: {  	(tm) =	ssettm $0x7FFFFFFF  }
0xc7: {  	_ =	shalt  }
tec
execute0_lowered:
.L_overlay_start_1:
0x0: {  	(tag) =	ssettag $0x1  }
0x1: {  	s0 =	rddreg [dreg:$0x0]  }
0x2: {  	s3 =	rddreg [dreg:$0x1]  }
0x3: {  	s1 =	rddreg [dreg:$0x2]  }
0x4: {  	s10 =	rddreg [dreg:$0x3];
	s2 =	simm.s32 $0x0  }
0x5: {  	s6 =	srdreg.scid;
	s11 =	stileid.u32;
	s15 =	simm.s32 $0x80  }
0x6: {  	s16 =	simm.s32 $0x400;
	s17 =	simm.s32 $0x2400;
	s19 =	simm.s32 $0x280  }
0x7: {  	s23 =	simm.s32 $0x100;
	s25 =	simm.s32 $0x300;
	s30 =	simm.s32 $0x180  }
0x8: {  	s31 =	simm.s32 $0x1C00;
	s14 =	simm.s32 $0x4580;
	s18 =	simm.s32 $0x4780  }
0x9: {  	s20 =	simm.s32 $0x1;
	s21 =	simm.s32 $0x4810;
	[smem:$0x7FF] =	sst s2  }
0xa: {  	s22 =	simm.s32 $0x0;
	s4 =	sadd.s32 $0xF42400, s1;
	s5 =	sadd.s32 $0x186A00, s1  }
0xb: {  	s7 =	sand.u32 $0x1, s6;
	s6 =	sadd.s32 $0x1EA00, s1;
	s11 =	sshll.u32 s11, $0x7  }
0xc: {  	_ =	strace $0x80000047;
	s8 =	ssub.s32 $0x2, s7;
	s12 =	sshll.u32 s7, $0x6  }
0xd: {  	s7 =	sadd.s32 $0x21C00, s1;
	s9 =	sshrl.u32 s8, $0x1;
	s11 =	sor.u32 s12, s11  }
0xe: {  	v0 =	vlaneseq.u32;
	s12 =	simm.s32 $0x2;
	s13 =	ssub.s32 s8, s9;
	s8 =	sadd.s32 s0, s11  }
0xf: {  	v0 =	vmul.u32 $0x10, v0;
	s9 =	sadd.s32 s3, s11;
	s10 =	sadd.s32 s10, s11;
	s0 =	simm.s32 $0x380  }
0x10: {  	s3 =	simm.s32 $0x3C00;
	s11 =	smax.u32 s13, $0x1;
	s13 =	simm.s32 $0x200  }
.LBB2_1:
0x11: {  	[tilespmem:s2], [sflag:$0x2] =	stream.linear.gather [hbm4b:s8+s2], $0x200, $0x38;
	[tilespmem:$0x4A10] =	vst v63  }
0x12: {  	_ =	swait.ge [sflag:s12], $0x200  }
0x13: {  	[sflag:s12] =	ssyncset.done $0x0  }
0x14: {  	[sflag:s12] =	ssyncadd.s32 $0xFFFFFE00  }
0x15: {  	[tilespmem:s13], [sflag:$0x2] =	stream.linear.gather [hbm4b:s9+s2], $0x200, $0x38;
	[tilespmem:$0x4A10] =	vst v63  }
0x16: {  	_ =	swait.ge [sflag:s12], $0x200  }
0x17: {  	[sflag:s12] =	ssyncset.done $0x0  }
0x18: {  	s24 =	simm.s32 $0x4800;
	[sflag:s12] =	ssyncadd.s32 $0xFFFFFE00  }
0x19: {  	[tilespmem:s24], [sflag:$0x2] =	stream.linear.gather [hbm4b:s7+s2], $0x10, $0x38;
	[tilespmem:$0x4A10] =	vst v63  }
0x1a: {  	_ =	swait.ge [sflag:s12], $0x10  }
0x1b: {  	[sflag:s12] =	ssyncset.done $0x0  }
0x1c: {  	[sflag:s12] =	ssyncadd.s32 $0xFFFFFFF0  }
0x1d: {  	[tilespmem:s16], [sflag:$0x1] =	stream.indirect.gather [hbm4b:s4+s15], $0x10, s2, s15, $0xb8;
	[tilespmem:$0x4A10] =	vst v63  }
0x1e: {  	_ = 	snop  }
0x1f: {  	[tilespmem:s17], [sflag:$0x1] =	stream.indirect.gather [hbm4b:s5+s15], $0x10, s13, s15, $0xb8;
	[tilespmem:$0x4A10] =	vst v63  }
0x20: {  	s26 =	simm.s32 $0x4400  }
0x21: {  	[tilespmem:s26], [sflag:$0x1] =	stream.indirect.gather [hbm4b:s1+s15], $0x1, s2, s15, $0xb8;
	[tilespmem:$0x4A10] =	vst v63  }
0x22: {  	s24 =	simm.s32 $0x4600  }
0x23: {  	[tilespmem:s24], [sflag:$0x1] =	stream.indirect.gather [hbm4b:s6+s15], $0x1, s13, s15, $0xb8;
	[tilespmem:$0x4A10] =	vst v63  }
0x24: {  	s28 =	simm.s32 $0xC00  }
0x25: {  	[tilespmem:s28], [sflag:$0x1] =	stream.indirect.gather [hbm4b:s4+s15], $0x10, s15, s15, $0xb8;
	[tilespmem:$0x4A10] =	vst v63  }
0x26: {  	s28 =	simm.s32 $0x2C00  }
0x27: {  	[tilespmem:s28], [sflag:$0x1] =	stream.indirect.gather [hbm4b:s5+s15], $0x10, s19, s15, $0xb8;
	[tilespmem:$0x4A10] =	vst v63  }
0x28: {  	s28 =	simm.s32 $0x4480  }
0x29: {  	[tilespmem:s28], [sflag:$0x1] =	stream.indirect.gather [hbm4b:s1+s15], $0x1, s15, s15, $0xb8;
	[tilespmem:$0x4A10] =	vst v63  }
0x2a: {  	s28 =	simm.s32 $0x4680  }
0x2b: {  	[tilespmem:s28], [sflag:$0x1] =	stream.indirect.gather [hbm4b:s6+s15], $0x1, s19, s15, $0xb8;
	[tilespmem:$0x4A10] =	vst v63  }
0x2c: {  	s28 =	simm.s32 $0x1400  }
0x2d: {  	[tilespmem:s28], [sflag:$0x1] =	stream.indirect.gather [hbm4b:s4+s15], $0x10, s23, s15, $0xb8;
	[tilespmem:$0x4A10] =	vst v63  }
0x2e: {  	s28 =	simm.s32 $0x3400  }
0x2f: {  	[tilespmem:s28], [sflag:$0x1] =	stream.indirect.gather [hbm4b:s5+s15], $0x10, s25, s15, $0xb8;
	[tilespmem:$0x4A10] =	vst v63  }
0x30: {  	s28 =	simm.s32 $0x4500  }
0x31: {  	[tilespmem:s28], [sflag:$0x1] =	stream.indirect.gather [hbm4b:s1+s15], $0x1, s23, s15, $0xb8;
	[tilespmem:$0x4A10] =	vst v63  }
0x32: {  	s28 =	simm.s32 $0x4700  }
0x33: {  	[tilespmem:s28], [sflag:$0x1] =	stream.indirect.gather [hbm4b:s6+s15], $0x1, s25, s15, $0xb8;
	[tilespmem:$0x4A10] =	vst v63  }
0x34: {  	_ = 	snop  }
0x35: {  	[tilespmem:s31], [sflag:$0x1] =	stream.indirect.gather [hbm4b:s4+s15], $0x10, s30, s15, $0xb8;
	[tilespmem:$0x4A10] =	vst v63  }
0x36: {  	_ = 	snop  }
0x37: {  	[tilespmem:s3], [sflag:$0x1] =	stream.indirect.gather [hbm4b:s5+s15], $0x10, s0, s15, $0xb8;
	[tilespmem:$0x4A10] =	vst v63  }
0x38: {  	_ = 	snop  }
0x39: {  	[tilespmem:s14], [sflag:$0x1] =	stream.indirect.gather [hbm4b:s1+s15], $0x1, s30, s15, $0xb8;
	[tilespmem:$0x4A10] =	vst v63  }
0x3a: {  	_ = 	snop  }
0x3b: {  	[tilespmem:s18], [sflag:$0x1] =	stream.indirect.gather [hbm4b:s6+s15], $0x1, s0, s15, $0xb8;
	[tilespmem:$0x4A10] =	vst v63  }
0x3c: {  	_ =	swait.ge [sflag:s20], $0x800  }
0x3d: {  	[sflag:s20] =	ssyncset.done $0x0  }
0x3e: {  	[sflag:s20] =	ssyncadd.s32 $0xFFFFF800  }
0x3f: {  	_ =	swait.ge [sflag:s20], $0x800  }
0x40: {  	[sflag:s20] =	ssyncset.done $0x0  }
0x41: {  	[sflag:s20] =	ssyncadd.s32 $0xFFFFF800  }
0x42: {  	_ =	swait.ge [sflag:s20], $0x80  }
0x43: {  	[sflag:s20] =	ssyncset.done $0x0  }
0x44: {  	[sflag:s20] =	ssyncadd.s32 $0xFFFFFF80  }
0x45: {  	_ =	swait.ge [sflag:s20], $0x80  }
0x46: {  	[sflag:s20] =	ssyncset.done $0x0  }
0x47: {  	[sflag:s20] =	ssyncadd.s32 $0xFFFFFF80  }
0x48: {  	_ =	swait.ge [sflag:s20], $0x800  }
0x49: {  	[sflag:s20] =	ssyncset.done $0x0  }
0x4a: {  	[sflag:s20] =	ssyncadd.s32 $0xFFFFF800  }
0x4b: {  	_ =	swait.ge [sflag:s20], $0x800  }
0x4c: {  	[sflag:s20] =	ssyncset.done $0x0  }
0x4d: {  	[sflag:s20] =	ssyncadd.s32 $0xFFFFF800  }
0x4e: {  	_ =	swait.ge [sflag:s20], $0x80  }
0x4f: {  	[sflag:s20] =	ssyncset.done $0x0  }
0x50: {  	[sflag:s20] =	ssyncadd.s32 $0xFFFFFF80  }
0x51: {  	_ =	swait.ge [sflag:s20], $0x80  }
0x52: {  	[sflag:s20] =	ssyncset.done $0x0  }
0x53: {  	[sflag:s20] =	ssyncadd.s32 $0xFFFFFF80  }
0x54: {  	_ =	swait.ge [sflag:s20], $0x800  }
0x55: {  	[sflag:s20] =	ssyncset.done $0x0  }
0x56: {  	[sflag:s20] =	ssyncadd.s32 $0xFFFFF800  }
0x57: {  	_ =	swait.ge [sflag:s20], $0x800  }
0x58: {  	[sflag:s20] =	ssyncset.done $0x0  }
0x59: {  	[sflag:s20] =	ssyncadd.s32 $0xFFFFF800  }
0x5a: {  	_ =	swait.ge [sflag:s20], $0x80  }
0x5b: {  	[sflag:s20] =	ssyncset.done $0x0  }
0x5c: {  	[sflag:s20] =	ssyncadd.s32 $0xFFFFFF80  }
0x5d: {  	_ =	swait.ge [sflag:s20], $0x80  }
0x5e: {  	[sflag:s20] =	ssyncset.done $0x0  }
0x5f: {  	[sflag:s20] =	ssyncadd.s32 $0xFFFFFF80  }
0x60: {  	_ =	swait.ge [sflag:s20], $0x800  }
0x61: {  	[sflag:s20] =	ssyncset.done $0x0  }
0x62: {  	[sflag:s20] =	ssyncadd.s32 $0xFFFFF800  }
0x63: {  	_ =	swait.ge [sflag:s20], $0x800  }
0x64: {  	[sflag:s20] =	ssyncset.done $0x0  }
0x65: {  	[sflag:s20] =	ssyncadd.s32 $0xFFFFF800  }
0x66: {  	v1 =	vmov s2;
	_ =	swait.ge [sflag:s20], $0x80  }
0x67: {  	v1 =	vshll.u32 v1, $0x4;
	[sflag:s20] =	ssyncset.done $0x0  }
0x68: {  	v2 =	vor.u32 v0, v1;
	[sflag:s20] =	ssyncadd.s32 $0xFFFFFF80  }
0x69: {  	_ =	swait.ge [sflag:s20], $0x80  }
0x6a: {  	v3 =	vor.u32 $0x1, v2;
	[sflag:s20] =	ssyncset.done $0x0  }
0x6b: {  	[sflag:s20] =	ssyncadd.s32 $0xFFFFFF80  }
0x6c: {  	v4 =	vor.u32 $0x2, v2;
	v1 =	vld [tilespmem:$0x4800]  }
0x6d: {  	v5 =	vld.idx.msk [tilespmem:v2+s17+$0x0], $0xffff  }
0x6e: {  	v7 =	vor.u32 $0x3, v2;
	v6 =	vld.idx.msk [tilespmem:v2+s16+$0x0], $0xffff  }
0x6f: {  	v8 =	vld.idx.msk [tilespmem:v3+s16+$0x0], $0xffff  }
0x70: {  	v9 =	vor.u32 $0x4, v2;
	v3 =	vld.idx.msk [tilespmem:v3+s17+$0x0], $0xffff  }
0x71: {  	v10 =	vld.idx.msk [tilespmem:v4+s16+$0x0], $0xffff  }
0x72: {  	v11 =	vor.u32 $0x5, v2;
	v4 =	vld.idx.msk [tilespmem:v4+s17+$0x0], $0xffff  }
0x73: {  	v12 =	vld.idx.msk [tilespmem:v7+s16+$0x0], $0xffff;
	v5 =	vmul.f32 v5, v6  }
0x74: {  	v6 =	vld.idx.msk [tilespmem:v7+s17+$0x0], $0xffff;
	v7 =	vor.u32 $0x6, v2  }
0x75: {  	v13 =	vld.idx.msk [tilespmem:v9+s16+$0x0], $0xffff;
	v3 =	vmul.f32 v3, v8;
	v5 =	vadd.f32 v5, v1  }
0x76: {  	v20 =	vor.u32 $0x7, v2;
	v19 =	vld.idx.msk [tilespmem:v9+s17+$0x0], $0xffff  }
0x77: {  	v14 =	vld.idx.msk [tilespmem:v11+s16+$0x0], $0xffff;
	v4 =	vmul.f32 v4, v10;
	v3 =	vadd.f32 v3, v5  }
0x78: {  	v21 =	vor.u32 $0x8, v2;
	v5 =	vld.idx.msk [tilespmem:v11+s17+$0x0], $0xffff  }
0x79: {  	v22 =	vld.idx.msk [tilespmem:v7+s16+$0x0], $0xffff;
	v3 =	vadd.f32 v4, v3;
	v4 =	vmul.f32 v6, v12  }
0x7a: {  	v6 =	vld.idx.msk [tilespmem:v7+s17+$0x0], $0xffff;
	v7 =	vor.u32 $0x9, v2  }
0x7b: {  	v23 =	vld.idx.msk [tilespmem:v20+s16+$0x0], $0xffff;
	v3 =	vadd.f32 v4, v3;
	v4 =	vmul.f32 v19, v13  }
0x7c: {  	v25 =	vor.u32 $0xA, v2;
	v24 =	vld.idx.msk [tilespmem:v20+s17+$0x0], $0xffff  }
0x7d: {  	v26 =	vld.idx.msk [tilespmem:v21+s16+$0x0], $0xffff;
	v3 =	vadd.f32 v4, v3;
	v4 =	vmul.f32 v5, v14  }
0x7e: {  	v27 =	vor.u32 $0xB, v2;
	v5 =	vld.idx.msk [tilespmem:v21+s17+$0x0], $0xffff  }
0x7f: {  	v28 =	vld.idx.msk [tilespmem:v7+s16+$0x0], $0xffff;
	v3 =	vadd.f32 v4, v3;
	v4 =	vmul.f32 v6, v22  }
0x80: {  	v6 =	vld.idx.msk [tilespmem:v7+s17+$0x0], $0xffff;
	v7 =	vor.u32 $0xC, v2  }
0x81: {  	v29 =	vld.idx.msk [tilespmem:v25+s16+$0x0], $0xffff;
	v3 =	vadd.f32 v4, v3;
	v4 =	vmul.f32 v24, v23  }
0x82: {  	v31 =	vor.u32 $0xD, v2;
	v30 =	vld.idx.msk [tilespmem:v25+s17+$0x0], $0xffff  }
0x83: {  	v32 =	vld.idx.msk [tilespmem:v27+s16+$0x0], $0xffff;
	v3 =	vadd.f32 v4, v3;
	v4 =	vmul.f32 v5, v26  }
0x84: {  	v33 =	vor.u32 $0xE, v2;
	v5 =	vld.idx.msk [tilespmem:v27+s17+$0x0], $0xffff  }
0x85: {  	v34 =	vld.idx.msk [tilespmem:v7+s16+$0x0], $0xffff;
	v3 =	vadd.f32 v4, v3;
	v4 =	vmul.f32 v6, v28  }
0x86: {  	v2 =	vor.u32 $0xF, v2;
	v6 =	vld.idx.msk [tilespmem:v7+s17+$0x0], $0xffff  }
0x87: {  	v35 =	vld.idx.msk [tilespmem:v31+s17+$0x0], $0xffff;
	v3 =	vadd.f32 v4, v3;
	v4 =	vmul.f32 v30, v29  }
0x88: {  	v7 =	vld.idx.msk [tilespmem:v31+s16+$0x0], $0xffff  }
0x89: {  	v36 =	vld.idx.msk [tilespmem:v33+s16+$0x0], $0xffff;
	v3 =	vadd.f32 v4, v3;
	v4 =	vmul.f32 v5, v32  }
0x8a: {  	v5 =	vld.idx.msk [tilespmem:v33+s17+$0x0], $0xffff  }
0x8b: {  	v37 =	vld.idx.msk [tilespmem:v2+s16+$0x0], $0xffff;
	v3 =	vadd.f32 v4, v3;
	v4 =	vmul.f32 v6, v34  }
0x8c: {  	v2 =	vld.idx.msk [tilespmem:v2+s17+$0x0], $0xffff  }
0x8d: {  	v3 =	vadd.f32 v4, v3;
	v4 =	vmul.f32 v35, v7;
	_ =	sdelay $0x1  }
0x8e: {  	v3 =	vadd.f32 v4, v3;
	v4 =	vmul.f32 v5, v36  }
0x8f: {  	v5 =	vld [tilespmem:s26+$0x0]  }
0x90: {  	v2 =	vmul.f32 v2, v37;
	v3 =	vadd.f32 v4, v3  }
0x91: {  	s26 =	simm.s32 $0x10;
	v4 =	vld [tilespmem:s24+$0x0]  }
0x92: {  	v6 =	vmov s26;
	v2 =	vadd.f32 v2, v3  }
0x93: {  	v3 =	vshll.u32 v6, $0x4  }
0x94: {  	v3 =	vor.u32 v0, v3;
	v2 =	vadd.f32 v2, v5;
	_ =	sdelay $0x1  }
0x95: {  	v5 =	vor.u32 $0x1, v3;
	v2 =	vadd.f32 v2, v4;
	_ =	sdelay $0x1  }
0x96: {  	v4 =	vor.u32 $0x2, v3;
	[tilespmem:s21+$0x0] =	vst v2  }
0x97: {  	v2 =	vld.idx.msk [tilespmem:v3+s17+$0x0], $0xffff  }
0x98: {  	v7 =	vor.u32 $0x3, v3;
	v6 =	vld.idx.msk [tilespmem:v3+s16+$0x0], $0xffff  }
0x99: {  	v38 =	vld.idx.msk [tilespmem:v5+s16+$0x0], $0xffff  }
0x9a: {  	v39 =	vor.u32 $0x4, v3;
	v5 =	vld.idx.msk [tilespmem:v5+s17+$0x0], $0xffff  }
0x9b: {  	v40 =	vld.idx.msk [tilespmem:v4+s16+$0x0], $0xffff  }
0x9c: {  	v41 =	vor.u32 $0x5, v3;
	v4 =	vld.idx.msk [tilespmem:v4+s17+$0x0], $0xffff  }
0x9d: {  	v42 =	vld.idx.msk [tilespmem:v7+s16+$0x0], $0xffff;
	v2 =	vmul.f32 v2, v6  }
0x9e: {  	v6 =	vld.idx.msk [tilespmem:v7+s17+$0x0], $0xffff;
	v7 =	vor.u32 $0x6, v3  }
0x9f: {  	v43 =	vld.idx.msk [tilespmem:v39+s16+$0x0], $0xffff;
	v5 =	vmul.f32 v5, v38;
	v2 =	vadd.f32 v2, v1  }
0xa0: {  	v45 =	vor.u32 $0x7, v3;
	v44 =	vld.idx.msk [tilespmem:v39+s17+$0x0], $0xffff  }
0xa1: {  	v46 =	vld.idx.msk [tilespmem:v41+s16+$0x0], $0xffff;
	v4 =	vmul.f32 v4, v40;
	v2 =	vadd.f32 v5, v2  }
0xa2: {  	v47 =	vor.u32 $0x8, v3;
	v5 =	vld.idx.msk [tilespmem:v41+s17+$0x0], $0xffff  }
0xa3: {  	v48 =	vld.idx.msk [tilespmem:v7+s16+$0x0], $0xffff;
	v2 =	vadd.f32 v4, v2;
	v4 =	vmul.f32 v6, v42  }
0xa4: {  	v6 =	vld.idx.msk [tilespmem:v7+s17+$0x0], $0xffff;
	v7 =	vor.u32 $0x9, v3  }
0xa5: {  	v49 =	vld.idx.msk [tilespmem:v45+s16+$0x0], $0xffff;
	v2 =	vadd.f32 v4, v2;
	v4 =	vmul.f32 v44, v43  }
0xa6: {  	v51 =	vor.u32 $0xA, v3;
	v50 =	vld.idx.msk [tilespmem:v45+s17+$0x0], $0xffff  }
0xa7: {  	v52 =	vld.idx.msk [tilespmem:v47+s16+$0x0], $0xffff;
	v2 =	vadd.f32 v4, v2;
	v4 =	vmul.f32 v5, v46  }
0xa8: {  	v53 =	vor.u32 $0xB, v3;
	v5 =	vld.idx.msk [tilespmem:v47+s17+$0x0], $0xffff  }
0xa9: {  	v54 =	vld.idx.msk [tilespmem:v7+s16+$0x0], $0xffff;
	v2 =	vadd.f32 v4, v2;
	v4 =	vmul.f32 v6, v48  }
0xaa: {  	v6 =	vld.idx.msk [tilespmem:v7+s17+$0x0], $0xffff;
	v7 =	vor.u32 $0xC, v3  }
0xab: {  	v55 =	vld.idx.msk [tilespmem:v51+s16+$0x0], $0xffff;
	v2 =	vadd.f32 v4, v2;
	v4 =	vmul.f32 v50, v49  }
0xac: {  	v57 =	vor.u32 $0xD, v3;
	v56 =	vld.idx.msk [tilespmem:v51+s17+$0x0], $0xffff  }
0xad: {  	v58 =	vld.idx.msk [tilespmem:v53+s16+$0x0], $0xffff;
	v2 =	vadd.f32 v4, v2;
	v4 =	vmul.f32 v5, v52  }
0xae: {  	v59 =	vor.u32 $0xE, v3;
	v5 =	vld.idx.msk [tilespmem:v53+s17+$0x0], $0xffff  }
0xaf: {  	v60 =	vld.idx.msk [tilespmem:v7+s16+$0x0], $0xffff;
	v2 =	vadd.f32 v4, v2;
	v4 =	vmul.f32 v6, v54  }
0xb0: {  	v6 =	vld.idx.msk [tilespmem:v7+s17+$0x0], $0xffff  }
0xb1: {  	v61 =	vld.idx.msk [tilespmem:v57+s17+$0x0], $0xffff;
	v3 =	vor.u32 $0xF, v3;
	v2 =	vadd.f32 v4, v2;
	v4 =	vmul.f32 v56, v55  }
0xb2: {  	v7 =	vld.idx.msk [tilespmem:v57+s16+$0x0], $0xffff  }
0xb3: {  	v62 =	vld.idx.msk [tilespmem:v59+s16+$0x0], $0xffff;
	v2 =	vadd.f32 v4, v2;
	v4 =	vmul.f32 v5, v58  }
0xb4: {  	v5 =	vld.idx.msk [tilespmem:v59+s17+$0x0], $0xffff  }
0xb5: {  	v2 =	vadd.f32 v4, v2;
	v4 =	vmul.f32 v6, v60  }
0xb6: {  	v63 =	vld.idx.msk [tilespmem:v3+s16+$0x0], $0xffff  }
0xb7: {  	v3 =	vld.idx.msk [tilespmem:v3+s17+$0x0], $0xffff;
	v2 =	vadd.f32 v4, v2;
	v4 =	vmul.f32 v61, v7;
	_ =	sdelay $0x1  }
0xb8: {  	v2 =	vadd.f32 v4, v2;
	v4 =	vmul.f32 v5, v62  }
0xb9: {  	s24 =	simm.s32 $0x4410  }
0xba: {  	v4 =	vadd.f32 v4, v2;
	v2 =	vld [tilespmem:s24+$0x0]  }
0xbb: {  	s26 =	simm.s32 $0x4610;
	v5 =	vmul.f32 v3, v63  }
0xbc: {  	s28 =	simm.s32 $0x20;
	v3 =	vld [tilespmem:s26+$0x0]  }
0xbd: {  	v6 =	vmov s28;
	v4 =	vadd.f32 v5, v4  }
0xbe: {  	s29 =	simm.s32 $0x30;
	s28 =	simm.s32 $0x4810;
	v5 =	vshll.u32 v6, $0x4  }
.LBB2_2:
0xbf: {  	p0 =	sne.s32 s29, $0x1F0;
	v5 =	vor.u32 v0, v5;
	v2 =	vadd.f32 v4, v2;
	_ =	sdelay $0x1  }
0xc0: {  	v4 =	vor.u32 $0x1, v5;
	v2 =	vadd.f32 v2, v3  }
0xc1: {  	s28 =	sadd.s32 $0x10, s28  }
0xc2: {  	v3 =	vor.u32 $0x2, v5;
	[tilespmem:s28+$0x0] =	vst v2  }
0xc3: {  	v2 =	vld.idx.msk [tilespmem:v5+s17+$0x0], $0xffff  }
0xc4: {  	v7 =	vor.u32 $0x3, v5;
	v6 =	vld.idx.msk [tilespmem:v5+s16+$0x0], $0xffff  }
0xc5: {  	v8 =	vld.idx.msk [tilespmem:v4+s16+$0x0], $0xffff  }
0xc6: {  	v9 =	vor.u32 $0x4, v5;
	v4 =	vld.idx.msk [tilespmem:v4+s17+$0x0], $0xffff  }
0xc7: {  	v10 =	vld.idx.msk [tilespmem:v3+s16+$0x0], $0xffff  }
0xc8: {  	v11 =	vor.u32 $0x5, v5;
	v3 =	vld.idx.msk [tilespmem:v3+s17+$0x0], $0xffff  }
0xc9: {  	v12 =	vld.idx.msk [tilespmem:v7+s16+$0x0], $0xffff  }
0xca: {  	v2 =	vmul.f32 v2, v6;
	v6 =	vld.idx.msk [tilespmem:v7+s17+$0x0], $0xffff;
	v7 =	vor.u32 $0x6, v5  }
0xcb: {  	v13 =	vld.idx.msk [tilespmem:v9+s16+$0x0], $0xffff  }
0xcc: {  	v2 =	vadd.f32 v2, v1;
	v4 =	vmul.f32 v4, v8;
	v8 =	vld.idx.msk [tilespmem:v9+s17+$0x0], $0xffff;
	v9 =	vor.u32 $0x7, v5  }
0xcd: {  	v14 =	vld.idx.msk [tilespmem:v11+s16+$0x0], $0xffff  }
0xce: {  	v2 =	vadd.f32 v4, v2;
	v3 =	vmul.f32 v3, v10;
	v10 =	vor.u32 $0x8, v5;
	v4 =	vld.idx.msk [tilespmem:v11+s17+$0x0], $0xffff  }
0xcf: {  	v11 =	vld.idx.msk [tilespmem:v7+s16+$0x0], $0xffff  }
0xd0: {  	v2 =	vadd.f32 v3, v2;
	v3 =	vmul.f32 v6, v12;
	v6 =	vld.idx.msk [tilespmem:v7+s17+$0x0], $0xffff;
	v7 =	vor.u32 $0x9, v5  }
0xd1: {  	v12 =	vld.idx.msk [tilespmem:v9+s16+$0x0], $0xffff  }
0xd2: {  	v2 =	vadd.f32 v3, v2;
	v3 =	vmul.f32 v8, v13;
	v8 =	vld.idx.msk [tilespmem:v9+s17+$0x0], $0xffff;
	v9 =	vor.u32 $0xA, v5  }
0xd3: {  	v13 =	vld.idx.msk [tilespmem:v10+s16+$0x0], $0xffff  }
0xd4: {  	v2 =	vadd.f32 v3, v2;
	v3 =	vmul.f32 v4, v14;
	v4 =	vld.idx.msk [tilespmem:v10+s17+$0x0], $0xffff;
	v10 =	vor.u32 $0xB, v5  }
0xd5: {  	v14 =	vld.idx.msk [tilespmem:v7+s16+$0x0], $0xffff  }
0xd6: {  	v2 =	vadd.f32 v3, v2;
	v3 =	vmul.f32 v6, v11;
	v6 =	vld.idx.msk [tilespmem:v7+s17+$0x0], $0xffff;
	v7 =	vor.u32 $0xC, v5  }
0xd7: {  	v11 =	vld.idx.msk [tilespmem:v9+s16+$0x0], $0xffff  }
0xd8: {  	v2 =	vadd.f32 v3, v2;
	v3 =	vmul.f32 v8, v12;
	v8 =	vld.idx.msk [tilespmem:v9+s17+$0x0], $0xffff;
	v9 =	vor.u32 $0xD, v5  }
0xd9: {  	v12 =	vld.idx.msk [tilespmem:v10+s16+$0x0], $0xffff  }
0xda: {  	v2 =	vadd.f32 v3, v2;
	v3 =	vmul.f32 v4, v13;
	v4 =	vld.idx.msk [tilespmem:v10+s17+$0x0], $0xffff;
	v10 =	vor.u32 $0xE, v5  }
0xdb: {  	v13 =	vld.idx.msk [tilespmem:v7+s16+$0x0], $0xffff  }
0xdc: {  	v5 =	vor.u32 $0xF, v5;
	v2 =	vadd.f32 v3, v2;
	v3 =	vmul.f32 v6, v14;
	v6 =	vld.idx.msk [tilespmem:v7+s17+$0x0], $0xffff  }
0xdd: {  	v7 =	vld.idx.msk [tilespmem:v9+s16+$0x0], $0xffff  }
0xde: {  	v2 =	vadd.f32 v3, v2;
	v3 =	vmul.f32 v8, v11;
	v8 =	vld.idx.msk [tilespmem:v9+s17+$0x0], $0xffff  }
0xdf: {  	v9 =	vld.idx.msk [tilespmem:v10+s16+$0x0], $0xffff  }
0xe0: {  	v2 =	vadd.f32 v3, v2;
	v3 =	vmul.f32 v4, v12;
	v4 =	vld.idx.msk [tilespmem:v10+s17+$0x0], $0xffff  }
0xe1: {  	v10 =	vld.idx.msk [tilespmem:v5+s16+$0x0], $0xffff  }
0xe2: {  	v2 =	vadd.f32 v3, v2;
	v3 =	vmul.f32 v6, v13;
	v5 =	vld.idx.msk [tilespmem:v5+s17+$0x0], $0xffff;
	_ =	sdelay $0x1  }
0xe3: {  	v2 =	vadd.f32 v3, v2;
	v3 =	vmul.f32 v8, v7;
	_ =	sdelay $0x1  }
0xe4: {  	s24 =	sadd.s32 $0x10, s24;
	v3 =	vadd.f32 v3, v2;
	v4 =	vmul.f32 v4, v9  }
.Ltmp0:
0xe5: {  	v2 =	vld [tilespmem:s24+$0x0];
	(pc) =	sbr.rel @p0 .LBB2_2-.Ltmp0, $4  }
0xe6: {  	s26 =	sadd.s32 $0x10, s26;
	v4 =	vadd.f32 v4, v3;
	v5 =	vmul.f32 v5, v10  }
0xe7: {  	v3 =	vld [tilespmem:s26+$0x0]  }
0xe8: {  	v6 =	vmov s29;
	v4 =	vadd.f32 v5, v4  }
0xe9: {  	s29 =	sadd.s32 $0x10, s29;
	v5 =	vshll.u32 v6, $0x4  }
0xea: {  	v5 =	vor.u32 v0, v5;
	v2 =	vadd.f32 v4, v2;
	_ =	sdelay $0x1  }
0xeb: {  	v34 =	vor.u32 $0x1, v5;
	v2 =	vadd.f32 v2, v3  }
0xec: {  	s28 =	sadd.s32 $0x10, s28  }
0xed: {  	v3 =	vor.u32 $0x2, v5;
	[tilespmem:s28+$0x0] =	vst v2  }
0xee: {  	v2 =	vld.idx.msk [tilespmem:v5+s17+$0x0], $0xffff  }
0xef: {  	v7 =	vor.u32 $0x3, v5;
	v6 =	vld.idx.msk [tilespmem:v5+s16+$0x0], $0xffff  }
0xf0: {  	v8 =	vld.idx.msk [tilespmem:v34+s16+$0x0], $0xffff  }
0xf1: {  	v9 =	vor.u32 $0x4, v5;
	v4 =	vld.idx.msk [tilespmem:v34+s17+$0x0], $0xffff  }
0xf2: {  	v10 =	vld.idx.msk [tilespmem:v3+s16+$0x0], $0xffff  }
0xf3: {  	v11 =	vor.u32 $0x5, v5;
	v3 =	vld.idx.msk [tilespmem:v3+s17+$0x0], $0xffff  }
0xf4: {  	v12 =	vld.idx.msk [tilespmem:v7+s16+$0x0], $0xffff;
	v2 =	vmul.f32 v2, v6  }
0xf5: {  	v36 =	vor.u32 $0x6, v5;
	v35 =	vld.idx.msk [tilespmem:v7+s17+$0x0], $0xffff  }
0xf6: {  	v13 =	vld.idx.msk [tilespmem:v9+s16+$0x0], $0xffff;
	v1 =	vadd.f32 v2, v1;
	v2 =	vmul.f32 v4, v8  }
0xf7: {  	v38 =	vor.u32 $0x7, v5;
	v37 =	vld.idx.msk [tilespmem:v9+s17+$0x0], $0xffff  }
0xf8: {  	v39 =	vld.idx.msk [tilespmem:v11+s16+$0x0], $0xffff;
	v1 =	vadd.f32 v2, v1;
	v2 =	vmul.f32 v3, v10  }
0xf9: {  	v40 =	vor.u32 $0x8, v5;
	v3 =	vld.idx.msk [tilespmem:v11+s17+$0x0], $0xffff  }
0xfa: {  	v41 =	vld.idx.msk [tilespmem:v36+s16+$0x0], $0xffff;
	v1 =	vadd.f32 v2, v1;
	v2 =	vmul.f32 v35, v12  }
0xfb: {  	v43 =	vor.u32 $0x9, v5;
	v42 =	vld.idx.msk [tilespmem:v36+s17+$0x0], $0xffff  }
0xfc: {  	v44 =	vld.idx.msk [tilespmem:v38+s16+$0x0], $0xffff;
	v1 =	vadd.f32 v2, v1;
	v2 =	vmul.f32 v37, v13  }
0xfd: {  	v46 =	vor.u32 $0xA, v5;
	v45 =	vld.idx.msk [tilespmem:v38+s17+$0x0], $0xffff  }
0xfe: {  	v47 =	vld.idx.msk [tilespmem:v40+s16+$0x0], $0xffff;
	v1 =	vadd.f32 v2, v1;
	v2 =	vmul.f32 v3, v39  }
0xff: {  	v48 =	vor.u32 $0xB, v5;
	v3 =	vld.idx.msk [tilespmem:v40+s17+$0x0], $0xffff  }
0x100: {  	v49 =	vld.idx.msk [tilespmem:v43+s16+$0x0], $0xffff;
	v1 =	vadd.f32 v2, v1;
	v2 =	vmul.f32 v42, v41  }
0x101: {  	v51 =	vor.u32 $0xC, v5;
	v50 =	vld.idx.msk [tilespmem:v43+s17+$0x0], $0xffff  }
0x102: {  	v52 =	vld.idx.msk [tilespmem:v46+s16+$0x0], $0xffff;
	v1 =	vadd.f32 v2, v1;
	v2 =	vmul.f32 v45, v44  }
0x103: {  	v54 =	vor.u32 $0xD, v5;
	v53 =	vld.idx.msk [tilespmem:v46+s17+$0x0], $0xffff  }
0x104: {  	v55 =	vld.idx.msk [tilespmem:v48+s16+$0x0], $0xffff;
	v1 =	vadd.f32 v2, v1;
	v2 =	vmul.f32 v3, v47  }
0x105: {  	v56 =	vor.u32 $0xE, v5;
	v3 =	vld.idx.msk [tilespmem:v48+s17+$0x0], $0xffff  }
0x106: {  	v57 =	vld.idx.msk [tilespmem:v51+s16+$0x0], $0xffff;
	v1 =	vadd.f32 v2, v1;
	v2 =	vmul.f32 v50, v49  }
0x107: {  	v5 =	vor.u32 $0xF, v5;
	v58 =	vld.idx.msk [tilespmem:v51+s17+$0x0], $0xffff  }
0x108: {  	v59 =	vld.idx.msk [tilespmem:v54+s16+$0x0], $0xffff;
	v1 =	vadd.f32 v2, v1;
	v2 =	vmul.f32 v53, v52  }
0x109: {  	v60 =	vld.idx.msk [tilespmem:v54+s17+$0x0], $0xffff  }
0x10a: {  	v61 =	vld.idx.msk [tilespmem:v56+s16+$0x0], $0xffff;
	v1 =	vadd.f32 v2, v1;
	v2 =	vmul.f32 v3, v55  }
0x10b: {  	v3 =	vld.idx.msk [tilespmem:v56+s17+$0x0], $0xffff  }
0x10c: {  	v62 =	vld.idx.msk [tilespmem:v5+s16+$0x0], $0xffff;
	v1 =	vadd.f32 v2, v1;
	v2 =	vmul.f32 v58, v57  }
0x10d: {  	v5 =	vld.idx.msk [tilespmem:v5+s17+$0x0], $0xffff  }
0x10e: {  	v1 =	vadd.f32 v2, v1;
	v2 =	vmul.f32 v60, v59;
	_ =	sdelay $0x1  }
0x10f: {  	s24 =	sadd.s32 $0x10, s24;
	v1 =	vadd.f32 v2, v1;
	v2 =	vmul.f32 v3, v61  }
0x110: {  	v3 =	vld [tilespmem:s24+$0x0]  }
0x111: {  	s26 =	sadd.s32 $0x10, s26;
	v1 =	vadd.f32 v2, v1;
	v2 =	vmul.f32 v5, v62  }
0x112: {  	v63 =	vld [tilespmem:s26+$0x0]  }
0x113: {  	v1 =	vadd.f32 v2, v1;
	_ =	sdelay $0x1  }
0x114: {  	v1 =	vadd.f32 v1, v3;
	_ =	sdelay $0x1  }
0x115: {  	s22 =	sadd.s32 $0x1, s22;
	v1 =	vadd.f32 v1, v63  }
0x116: {  	s29 =	sadd.s32 $0x10, s28;
	p0 =	sne.s32 s22, s11  }
.Ltmp1:
0x117: {  	[tilespmem:s29+$0x0] =	vst v1;
	(pc) =	sbr.rel @p0 .LBB2_1-.Ltmp1, $4  }
0x118: {  	[hbm4b:s10+s2] =	stream.linear.scatter [tilespmem:s21], [sflag:$0x2], $0x200, $0x38;
	[tilespmem:$0x4A10] =	vst v63  }
0x119: {  	_ =	swait.ge [sflag:s12], $0x200  }
0x11a: {  	[sflag:s12] =	ssyncset.done $0x0  }
0x11b: {  	[sflag:s12] =	ssyncadd.s32 $0xFFFFFE00  }
0x11c: {  	_ =	sfence.sel $0x180000  }
0x11d: {  	[bflag:$0x0] =	sbarrier.arrive $0xFFFF  }
0x11e: {  	_ =	strace $0x90000047  }
0x11f: {  	s0 =	stileid.u32;
	[bflag:$0x2] =	sbarrier.arrive $0xFFFF  }
0x120: {  	p0 =	sne.s32 s0, $0x0;
	s0 =	rddreg [dreg:$0x4]  }
0x121: {  	s0 =	sadd.s32 @!p0 $0x100000, s0  }
0x122: {  	[sflag:s0] =	ssyncadd.tile.s32 @!p0 $0x1;
	_ =	shalt  }
.Lfunc_end2:
_tile_overlayer_lowered:
.L_overlay_start_2:
0x123: {  	(tag) =	ssettag $0x2  }
0x124: {  	s0 =	rddreg [dreg:$0x0];
	s2 =	stileid.u32  }
0x125: {  	s1 =	rddreg [dreg:$0x1];
	p0 =	sne.s32 s2, $0x0  }
0x126: {  	s3 =	rddreg [dreg:$0x2];
	[bflag:$0x3] =	sbarrier.arrive $0xFFFF;
	s2 =	simm.s32 @!p0 $0x1C02  }
0x127: {  	[timem:s3], [sflag:s2] =	dma.local @!p0 [hbm:s0], s1  }
0x128: {  	s0 =	simm.s32 @!p0 $0x2  }
0x129: {  	_ =	swait.ge @!p0 [sflag:s0], s1  }
0x12a: {  	s1 =	ssub.s32 @!p0 $0x0, s1;
	[sflag:s0] =	ssyncset.done @!p0 $0x0  }
0x12b: {  	[sflag:s0] =	ssyncadd.s32 @!p0 s1  }
0x12c: {  	[bflag:$0x3] =	sbarrier.arrive $0xFFFF  }
0x12d: {  	_ =	shalt  }

</sc_bundles>
